<compile_context>
chip_gen: v7x
topology: tpu7x:2x2x1
jax: 0.10.2.dev20260603
libtpu: 0.0.44.dev20260713+nightly
codegen_flags: <defaults>
</compile_context>

<pallas_src>
import functools

import jax
import jax.numpy as jnp
from jax import lax
from jax.experimental import pallas as pl
from jax.experimental.pallas import tpu as pltpu
from jax.experimental.pallas import tpu_sc as plsc

B_TOTAL = 16384
D = 256
N_CB = 8192

M_TILE = 1024
N_CHUNK = 2048

ST_TILE = 2048

_DIMNUMS_LAST = (((1,), (1,)), ((), ()))


def _scan_tile(z_ref, cb_ref, cn_ref, out_ref):
    z_t = z_ref[...]
    zn = jnp.sum(z_t * z_t, axis=1, keepdims=True)
    z_m2 = z_t * jnp.float32(-2.0)
    io128 = lax.broadcasted_iota(jnp.int32, (M_TILE, 128), 1).astype(jnp.float32)
    v_run = jnp.full((M_TILE, 128), jnp.inf, jnp.float32)
    j_run = jnp.zeros((M_TILE, 128), jnp.float32)
    def _chunk_dot(c):
        cb_c = cb_ref[pl.ds(c * N_CHUNK, N_CHUNK), :]
        return lax.dot_general(z_m2, cb_c, _DIMNUMS_LAST,
                               preferred_element_type=jnp.float32)

    n_chunks = N_CB // N_CHUNK
    s2_next = _chunk_dot(0)
    for c in range(n_chunks):
        s2 = s2_next
        if c + 1 < n_chunks:
            s2_next = _chunk_dot(c + 1)
        for jj in range(N_CHUNK // 128):
            col = jj * 128
            d_sl = (zn + cn_ref[:, pl.ds(c * N_CHUNK + col, 128)]) + s2[:, col:col + 128]
            m = d_sl < v_run
            v_run = jnp.where(m, d_sl, v_run)
            j_run = jnp.where(m, jnp.float32(c * (N_CHUNK // 128) + jj), j_run)
    gmin = jnp.min(v_run, axis=1, keepdims=True)
    idxf = j_run * jnp.float32(128.0) + io128
    cand = jnp.where(v_run == gmin, idxf, jnp.float32(N_CB))
    out_ref[...] = jnp.min(cand, axis=1).astype(jnp.int32)


def _argmin_body(z_ref, e_ref, w_ref, idx_ref, cb_out_ref, cb_ref, cn_ref):
    @pl.when(pl.program_id(0) == 0)
    def _():
        cb = lax.dot_general(e_ref[...], w_ref[...], _DIMNUMS_LAST,
                             preferred_element_type=jnp.float32)
        cb_ref[...] = cb
        cb_out_ref[...] = cb
        cn_ref[...] = lax.dot_general(jnp.ones((1, D), jnp.float32), cb * cb,
                                      _DIMNUMS_LAST,
                                      preferred_element_type=jnp.float32)

    _scan_tile(z_ref, cb_ref, cn_ref, idx_ref)


def _compute_indices(z_flat, embedding_weight, proj_weight):
    return pl.pallas_call(
        _argmin_body,
        grid=(B_TOTAL // M_TILE,),
        in_specs=[
            pl.BlockSpec((M_TILE, D), lambda i: (i, 0)),
            pl.BlockSpec((N_CB, D), lambda i: (0, 0)),
            pl.BlockSpec((D, D), lambda i: (0, 0)),
        ],
        out_specs=(
            pl.BlockSpec((M_TILE,), lambda i: (i,)),
            pl.BlockSpec((N_CB, D), lambda i: (0, 0)),
        ),
        out_shape=(
            jax.ShapeDtypeStruct((B_TOTAL,), jnp.int32),
            jax.ShapeDtypeStruct((N_CB, D), jnp.float32),
        ),
        scratch_shapes=[
            pltpu.VMEM((N_CB, D), jnp.float32),
            pltpu.VMEM((1, N_CB), jnp.float32),
        ],
    )(z_flat, embedding_weight, proj_weight)


_NUM_SC_CORES = 2
_NUM_SC_SUBCORES = 16
_NW = _NUM_SC_CORES * _NUM_SC_SUBCORES
_ROWS_PER_W = B_TOTAL // _NW
_GCHUNK = 128


def _gather_rows(codebook, indices):
    mesh = plsc.VectorSubcoreMesh(core_axis_name="c", subcore_axis_name="s")
    n_chunks = _ROWS_PER_W // _GCHUNK

    @functools.partial(
        pl.kernel, mesh=mesh,
        out_type=jax.ShapeDtypeStruct((B_TOTAL, D), jnp.float32),
        scratch_types=(
            [pltpu.VMEM((_GCHUNK,), jnp.int32) for _ in range(3)]
            + [pltpu.VMEM((_GCHUNK, D), jnp.float32) for _ in range(3)]
            + [pltpu.SemaphoreType.DMA for _ in range(6)]
        ),
    )
    def gather_k(table_hbm, idx_hbm, out_hbm, i0, i1, i2, r0, r1, r2,
                 g0, g1, g2, s0, s1, s2):
        idxs, rows = [i0, i1, i2], [r0, r1, r2]
        gsems, ssems = [g0, g1, g2], [s0, s1, s2]
        wid = lax.axis_index("s") * _NUM_SC_CORES + lax.axis_index("c")
        base = wid * _ROWS_PER_W
        gh = [None] * n_chunks
        sh = [None] * n_chunks
        for c in range(min(3, n_chunks)):
            off = base + c * _GCHUNK
            pltpu.sync_copy(idx_hbm.at[pl.ds(off, _GCHUNK)], idxs[c])
            gh[c] = pltpu.async_copy(table_hbm.at[idxs[c]], rows[c], gsems[c])
        for c in range(n_chunks):
            b = c % 3
            gh[c].wait()
            sh[c] = pltpu.async_copy(
                rows[b], out_hbm.at[pl.ds(base + c * _GCHUNK, _GCHUNK)], ssems[b])
            nxt = c + 3
            if nxt < n_chunks:
                sh[c].wait()
                off = base + nxt * _GCHUNK
                pltpu.sync_copy(idx_hbm.at[pl.ds(off, _GCHUNK)], idxs[b])
                gh[nxt] = pltpu.async_copy(table_hbm.at[idxs[b]], rows[b], gsems[b])
        for c in range(n_chunks):
            if c + 3 >= n_chunks:
                sh[c].wait()

    return gather_k(codebook, indices)


def _st_body(zq_ref, z_ref, out_ref, acc_ref):
    i = pl.program_id(0)
    zq = zq_ref[...]
    zt = z_ref[...]
    diff = zq - zt
    out_ref[...] = zt + diff
    s = jnp.sum(diff * diff)

    @pl.when(i == 0)
    def _():
        acc_ref[0, 0] = s

    @pl.when(i > 0)
    def _():
        acc_ref[0, 0] = acc_ref[0, 0] + s


def _straight_through(z_q_flat, z_flat):
    return pl.pallas_call(
        _st_body,
        grid=(B_TOTAL // ST_TILE,),
        in_specs=[
            pl.BlockSpec((ST_TILE, D), lambda i: (i, 0)),
            pl.BlockSpec((ST_TILE, D), lambda i: (i, 0)),
        ],
        out_specs=(
            pl.BlockSpec((ST_TILE, D), lambda i: (i, 0)),
            pl.BlockSpec(memory_space=pltpu.SMEM),
        ),
        out_shape=(
            jax.ShapeDtypeStruct((B_TOTAL, D), jnp.float32),
            jax.ShapeDtypeStruct((1, 1), jnp.float32),
        ),
    )(z_q_flat, z_flat)


def kernel(z, embedding_weight, proj_weight):
    b, c, h, w = z.shape
    z_t = jnp.transpose(z, (0, 2, 3, 1))
    z_flat = z_t.reshape(-1, c)

    indices, codebook = _compute_indices(z_flat, embedding_weight, proj_weight)
    z_q_flat = _gather_rows(codebook, indices)
    z_q_st, sq_sum = _straight_through(z_q_flat, z_flat)
    z_q_out = jnp.transpose(z_q_st.reshape(b, h, w, c), (0, 3, 1, 2))

    m = sq_sum[0, 0] / jnp.float32(B_TOTAL * D)
    commitment_loss = jnp.float32(0.25) * m
    codebook_loss = m
    loss = commitment_loss + codebook_loss

    indices_out = indices.reshape(b, h, w)
    return (z_q_out, loss, commitment_loss, codebook_loss, indices_out)

# --- scband reference (transcript-rebuilt; emitter-appended) ---
"""Pipeline reference for scband-vector-quantizer-56581899157661 (READ-ONLY COPY).

The authoritative reference and input builder live on the scoring server;
editing this copy changes nothing except your own understanding.
"""

import jax, jax.numpy as jnp
import numpy as np

CODEBOOK_SIZE = 8192
TOKEN_SIZE = 256
COMMITMENT_COST = 0.25


def setup_inputs(seed: int = 0) -> dict:
    key = jax.random.key(seed)
    k1, k2, k3 = jax.random.split(key, 3)
    z = jax.random.normal(k1, (16, 256, 32, 32), dtype=jnp.float32)
    # nn.Embedding weight initialized uniform(-1/n_e, 1/n_e)
    embedding_weight = jax.random.uniform(
        k2, (CODEBOOK_SIZE, TOKEN_SIZE), dtype=jnp.float32,
        minval=-1.0 / CODEBOOK_SIZE, maxval=1.0 / CODEBOOK_SIZE)
    # nn.Linear(e_dim, e_dim, bias=False) weight [out, in], kaiming-uniform-ish
    bound = 1.0 / np.sqrt(TOKEN_SIZE)
    proj_weight = jax.random.uniform(
        k3, (TOKEN_SIZE, TOKEN_SIZE), dtype=jnp.float32, minval=-bound, maxval=bound)
    return {"z": z, "embedding_weight": embedding_weight, "proj_weight": proj_weight}


def reference(z, embedding_weight, proj_weight):
    # b c h w -> b h w c
    z_t = jnp.transpose(z, (0, 2, 3, 1))
    b, h, w, c = z_t.shape
    z_flat = z_t.reshape(-1, c)
    # codebook = embedding_proj(embedding.weight) = weight @ W.T
    codebook = embedding_weight @ proj_weight.T
    # squared L2 distances
    d = (jnp.sum(z_flat ** 2, axis=1, keepdims=True)
         + jnp.sum(codebook ** 2, axis=1)
         - 2.0 * jnp.einsum('bd,nd->bn', z_flat, codebook))
    min_encoding_indices = jnp.argmin(d, axis=1)
    # get_codebook_entry: embedding lookup into projected codebook
    z_quantized = jnp.take(codebook, min_encoding_indices, axis=0).reshape(z_t.shape)
    commitment_loss = COMMITMENT_COST * jnp.mean((jax.lax.stop_gradient(z_quantized) - z_t) ** 2)
    codebook_loss = jnp.mean((z_quantized - jax.lax.stop_gradient(z_t)) ** 2)
    loss = commitment_loss + codebook_loss
    # straight-through estimator
    z_q_st = z_t + jax.lax.stop_gradient(z_quantized - z_t)
    z_q_out = jnp.transpose(z_q_st, (0, 3, 1, 2))
    indices_out = min_encoding_indices.reshape(b, h, w)
    return (z_q_out, loss, commitment_loss, codebook_loss, indices_out)

if __name__ == "__main__":
    import jax
    _d = setup_inputs()
    print(jax.jit(kernel)(*tuple(_d.values())))

</pallas_src>

<mosaic_0001>
#map = affine_map<(d0, d1) -> (0, 0)>
#map1 = affine_map<(d0, d1) -> (0)>
module attributes {stable_mosaic.version = 14 : i64} {
  func.func @gather_k(%arg0: i32, %arg1: i32, %arg2: memref<8192x256xf32, #tpu.memory_space<hbm>>, %arg3: memref<16384xi32, #tpu.memory_space<hbm>>, %arg4: memref<16384x256xf32, #tpu.memory_space<hbm>>, %arg5: memref<128xi32, #tpu.memory_space<vmem>>, %arg6: memref<128xi32, #tpu.memory_space<vmem>>, %arg7: memref<128xi32, #tpu.memory_space<vmem>>, %arg8: memref<128x256xf32, #tpu.memory_space<vmem>>, %arg9: memref<128x256xf32, #tpu.memory_space<vmem>>, %arg10: memref<128x256xf32, #tpu.memory_space<vmem>>, %arg11: memref<!tpu.dma_semaphore, #tpu.memory_space<semaphore_mem>>, %arg12: memref<!tpu.dma_semaphore, #tpu.memory_space<semaphore_mem>>, %arg13: memref<!tpu.dma_semaphore, #tpu.memory_space<semaphore_mem>>, %arg14: memref<!tpu.dma_semaphore, #tpu.memory_space<semaphore_mem>>, %arg15: memref<!tpu.dma_semaphore, #tpu.memory_space<semaphore_mem>>, %arg16: memref<!tpu.dma_semaphore, #tpu.memory_space<semaphore_mem>>) attributes {dimension_semantics = [#tpu.dimension_semantics<core_parallel>, #tpu.dimension_semantics<subcore_parallel>], iteration_bounds = array<i64: 2, 16>, scalar_prefetch = 0 : i64, scratch_operands = 12 : i64, tpu.core_type = #tpu.core_type<sc_vector_subcore>, window_params = [{transform_indices = #map}, {transform_indices = #map1}, {transform_indices = #map}]} {
    %mul3A = arith.constant 2 : i32
    %mul3A_0 = arith.muli %arg1, %mul3A : i32
    %add3A = arith.addi %mul3A_0, %arg0 : i32
    %mul3A_1 = arith.constant 512 : i32
    %mul3A_2 = arith.muli %add3A, %mul3A_1 : i32
    %add3A_3 = arith.constant 0 : i32
    %add3A_4 = arith.addi %mul3A_2, %add3A_3 : i32
    "tpu.region"() ({
      %run_scoped3A = tpu.sem_alloc : memref<!tpu.dma_semaphore, #tpu.memory_space<semaphore_mem>>
      %dma_start3A_73 = tpu.memref_slice %arg3[%add3A_4] : memref<16384xi32, #tpu.memory_space<hbm>> -> memref<128xi32, #tpu.memory_space<hbm>>
      %dma_start3A_74 = tpu.memref_slice %arg3[%add3A_4] : memref<16384xi32, #tpu.memory_space<hbm>> -> memref<128xi32, #tpu.memory_space<hbm>>
      tpu.enqueue_dma source(%dma_start3A_74 : memref<128xi32, #tpu.memory_space<hbm>>) target(%arg5 : memref<128xi32, #tpu.memory_space<vmem>>) target_semaphore(%run_scoped3A : memref<!tpu.dma_semaphore, #tpu.memory_space<semaphore_mem>>)
      %dma_wait3A_75 = tpu.memref_slice %arg3[%add3A_4] : memref<16384xi32, #tpu.memory_space<hbm>> -> memref<128xi32, #tpu.memory_space<hbm>>
      %dma_wait3A_76 = tpu.memref_slice %arg3[%add3A_4] : memref<16384xi32, #tpu.memory_space<hbm>> -> memref<128xi32, #tpu.memory_space<hbm>>
      tpu.wait_dma2 semaphore(%run_scoped3A : memref<!tpu.dma_semaphore, #tpu.memory_space<semaphore_mem>>) src(%dma_wait3A_76 : memref<128xi32, #tpu.memory_space<hbm>>) dst(%arg5 : memref<128xi32, #tpu.memory_space<vmem>>)
      tpu.yield
    }) : () -> ()
    %dma_start3A = arith.constant 0 : i32
    %dma_start3A_5 = arith.constant 0 : i32
    %dma_start3A_6 = tpu.memref_slice %arg2[%dma_start3A, %dma_start3A_5] : memref<8192x256xf32, #tpu.memory_space<hbm>> -> memref<8192x256xf32, #tpu.memory_space<hbm>>
    tpu.enqueue_indirect_dma source(%dma_start3A_6 : memref<8192x256xf32, #tpu.memory_space<hbm>>) target(%arg8 : memref<128x256xf32, #tpu.memory_space<vmem>>) offsets(%arg5 : memref<128xi32, #tpu.memory_space<vmem>>) semaphore(%arg11 : memref<!tpu.dma_semaphore, #tpu.memory_space<semaphore_mem>>)
    %add3A_7 = arith.constant 128 : i32
    %add3A_8 = arith.addi %mul3A_2, %add3A_7 : i32
    "tpu.region"() ({
      %run_scoped3A = tpu.sem_alloc : memref<!tpu.dma_semaphore, #tpu.memory_space<semaphore_mem>>
      %dma_start3A_73 = tpu.memref_slice %arg3[%add3A_8] : memref<16384xi32, #tpu.memory_space<hbm>> -> memref<128xi32, #tpu.memory_space<hbm>>
      %dma_start3A_74 = tpu.memref_slice %arg3[%add3A_8] : memref<16384xi32, #tpu.memory_space<hbm>> -> memref<128xi32, #tpu.memory_space<hbm>>
      tpu.enqueue_dma source(%dma_start3A_74 : memref<128xi32, #tpu.memory_space<hbm>>) target(%arg6 : memref<128xi32, #tpu.memory_space<vmem>>) target_semaphore(%run_scoped3A : memref<!tpu.dma_semaphore, #tpu.memory_space<semaphore_mem>>)
      %dma_wait3A_75 = tpu.memref_slice %arg3[%add3A_8] : memref<16384xi32, #tpu.memory_space<hbm>> -> memref<128xi32, #tpu.memory_space<hbm>>
      %dma_wait3A_76 = tpu.memref_slice %arg3[%add3A_8] : memref<16384xi32, #tpu.memory_space<hbm>> -> memref<128xi32, #tpu.memory_space<hbm>>
      tpu.wait_dma2 semaphore(%run_scoped3A : memref<!tpu.dma_semaphore, #tpu.memory_space<semaphore_mem>>) src(%dma_wait3A_76 : memref<128xi32, #tpu.memory_space<hbm>>) dst(%arg6 : memref<128xi32, #tpu.memory_space<vmem>>)
      tpu.yield
    }) : () -> ()
    %dma_start3A_9 = arith.constant 0 : i32
    %dma_start3A_10 = arith.constant 0 : i32
    %dma_start3A_11 = tpu.memref_slice %arg2[%dma_start3A_9, %dma_start3A_10] : memref<8192x256xf32, #tpu.memory_space<hbm>> -> memref<8192x256xf32, #tpu.memory_space<hbm>>
    tpu.enqueue_indirect_dma source(%dma_start3A_11 : memref<8192x256xf32, #tpu.memory_space<hbm>>) target(%arg9 : memref<128x256xf32, #tpu.memory_space<vmem>>) offsets(%arg6 : memref<128xi32, #tpu.memory_space<vmem>>) semaphore(%arg12 : memref<!tpu.dma_semaphore, #tpu.memory_space<semaphore_mem>>)
    %add3A_12 = arith.constant 256 : i32
    %add3A_13 = arith.addi %mul3A_2, %add3A_12 : i32
    "tpu.region"() ({
      %run_scoped3A = tpu.sem_alloc : memref<!tpu.dma_semaphore, #tpu.memory_space<semaphore_mem>>
      %dma_start3A_73 = tpu.memref_slice %arg3[%add3A_13] : memref<16384xi32, #tpu.memory_space<hbm>> -> memref<128xi32, #tpu.memory_space<hbm>>
      %dma_start3A_74 = tpu.memref_slice %arg3[%add3A_13] : memref<16384xi32, #tpu.memory_space<hbm>> -> memref<128xi32, #tpu.memory_space<hbm>>
      tpu.enqueue_dma source(%dma_start3A_74 : memref<128xi32, #tpu.memory_space<hbm>>) target(%arg7 : memref<128xi32, #tpu.memory_space<vmem>>) target_semaphore(%run_scoped3A : memref<!tpu.dma_semaphore, #tpu.memory_space<semaphore_mem>>)
      %dma_wait3A_75 = tpu.memref_slice %arg3[%add3A_13] : memref<16384xi32, #tpu.memory_space<hbm>> -> memref<128xi32, #tpu.memory_space<hbm>>
      %dma_wait3A_76 = tpu.memref_slice %arg3[%add3A_13] : memref<16384xi32, #tpu.memory_space<hbm>> -> memref<128xi32, #tpu.memory_space<hbm>>
      tpu.wait_dma2 semaphore(%run_scoped3A : memref<!tpu.dma_semaphore, #tpu.memory_space<semaphore_mem>>) src(%dma_wait3A_76 : memref<128xi32, #tpu.memory_space<hbm>>) dst(%arg7 : memref<128xi32, #tpu.memory_space<vmem>>)
      tpu.yield
    }) : () -> ()
    %dma_start3A_14 = arith.constant 0 : i32
    %dma_start3A_15 = arith.constant 0 : i32
    %dma_start3A_16 = tpu.memref_slice %arg2[%dma_start3A_14, %dma_start3A_15] : memref<8192x256xf32, #tpu.memory_space<hbm>> -> memref<8192x256xf32, #tpu.memory_space<hbm>>
    tpu.enqueue_indirect_dma source(%dma_start3A_16 : memref<8192x256xf32, #tpu.memory_space<hbm>>) target(%arg10 : memref<128x256xf32, #tpu.memory_space<vmem>>) offsets(%arg7 : memref<128xi32, #tpu.memory_space<vmem>>) semaphore(%arg13 : memref<!tpu.dma_semaphore, #tpu.memory_space<semaphore_mem>>)
    %dma_wait3A = arith.constant 0 : i32
    %dma_wait3A_17 = arith.constant 0 : i32
    %dma_wait3A_18 = tpu.memref_slice %arg2[%dma_wait3A, %dma_wait3A_17] : memref<8192x256xf32, #tpu.memory_space<hbm>> -> memref<8192x256xf32, #tpu.memory_space<hbm>>
    tpu.wait_indirect_dma semaphore(%arg11 : memref<!tpu.dma_semaphore, #tpu.memory_space<semaphore_mem>>) src(%dma_wait3A_18 : memref<8192x256xf32, #tpu.memory_space<hbm>>) dst(%arg8 : memref<128x256xf32, #tpu.memory_space<vmem>>)
    %add3A_19 = arith.constant 0 : i32
    %add3A_20 = arith.addi %mul3A_2, %add3A_19 : i32
    %dma_start3A_21 = arith.constant 0 : i32
    %dma_start3A_22 = tpu.memref_slice %arg4[%add3A_20, %dma_start3A_21] : memref<16384x256xf32, #tpu.memory_space<hbm>> -> memref<128x256xf32, #tpu.memory_space<hbm>>
    %dma_start3A_23 = arith.constant 0 : i32
    %dma_start3A_24 = tpu.memref_slice %arg4[%add3A_20, %dma_start3A_23] : memref<16384x256xf32, #tpu.memory_space<hbm>> -> memref<128x256xf32, #tpu.memory_space<hbm>>
    tpu.enqueue_dma source(%arg8 : memref<128x256xf32, #tpu.memory_space<vmem>>) target(%dma_start3A_24 : memref<128x256xf32, #tpu.memory_space<hbm>>) target_semaphore(%arg14 : memref<!tpu.dma_semaphore, #tpu.memory_space<semaphore_mem>>)
    %dma_wait3A_25 = arith.constant 0 : i32
    %dma_wait3A_26 = tpu.memref_slice %arg4[%add3A_20, %dma_wait3A_25] : memref<16384x256xf32, #tpu.memory_space<hbm>> -> memref<128x256xf32, #tpu.memory_space<hbm>>
    %dma_wait3A_27 = arith.constant 0 : i32
    %dma_wait3A_28 = tpu.memref_slice %arg4[%add3A_20, %dma_wait3A_27] : memref<16384x256xf32, #tpu.memory_space<hbm>> -> memref<128x256xf32, #tpu.memory_space<hbm>>
    tpu.wait_dma2 semaphore(%arg14 : memref<!tpu.dma_semaphore, #tpu.memory_space<semaphore_mem>>) src(%arg8 : memref<128x256xf32, #tpu.memory_space<vmem>>) dst(%dma_wait3A_28 : memref<128x256xf32, #tpu.memory_space<hbm>>)
    %add3A_29 = arith.constant 384 : i32
    %add3A_30 = arith.addi %mul3A_2, %add3A_29 : i32
    "tpu.region"() ({
      %run_scoped3A = tpu.sem_alloc : memref<!tpu.dma_semaphore, #tpu.memory_space<semaphore_mem>>
      %dma_start3A_73 = tpu.memref_slice %arg3[%add3A_30] : memref<16384xi32, #tpu.memory_space<hbm>> -> memref<128xi32, #tpu.memory_space<hbm>>
      %dma_start3A_74 = tpu.memref_slice %arg3[%add3A_30] : memref<16384xi32, #tpu.memory_space<hbm>> -> memref<128xi32, #tpu.memory_space<hbm>>
      tpu.enqueue_dma source(%dma_start3A_74 : memref<128xi32, #tpu.memory_space<hbm>>) target(%arg5 : memref<128xi32, #tpu.memory_space<vmem>>) target_semaphore(%run_scoped3A : memref<!tpu.dma_semaphore, #tpu.memory_space<semaphore_mem>>)
      %dma_wait3A_75 = tpu.memref_slice %arg3[%add3A_30] : memref<16384xi32, #tpu.memory_space<hbm>> -> memref<128xi32, #tpu.memory_space<hbm>>
      %dma_wait3A_76 = tpu.memref_slice %arg3[%add3A_30] : memref<16384xi32, #tpu.memory_space<hbm>> -> memref<128xi32, #tpu.memory_space<hbm>>
      tpu.wait_dma2 semaphore(%run_scoped3A : memref<!tpu.dma_semaphore, #tpu.memory_space<semaphore_mem>>) src(%dma_wait3A_76 : memref<128xi32, #tpu.memory_space<hbm>>) dst(%arg5 : memref<128xi32, #tpu.memory_space<vmem>>)
      tpu.yield
    }) : () -> ()
    %dma_start3A_31 = arith.constant 0 : i32
    %dma_start3A_32 = arith.constant 0 : i32
    %dma_start3A_33 = tpu.memref_slice %arg2[%dma_start3A_31, %dma_start3A_32] : memref<8192x256xf32, #tpu.memory_space<hbm>> -> memref<8192x256xf32, #tpu.memory_space<hbm>>
    tpu.enqueue_indirect_dma source(%dma_start3A_33 : memref<8192x256xf32, #tpu.memory_space<hbm>>) target(%arg8 : memref<128x256xf32, #tpu.memory_space<vmem>>) offsets(%arg5 : memref<128xi32, #tpu.memory_space<vmem>>) semaphore(%arg11 : memref<!tpu.dma_semaphore, #tpu.memory_space<semaphore_mem>>)
    %dma_wait3A_34 = arith.constant 0 : i32
    %dma_wait3A_35 = arith.constant 0 : i32
    %dma_wait3A_36 = tpu.memref_slice %arg2[%dma_wait3A_34, %dma_wait3A_35] : memref<8192x256xf32, #tpu.memory_space<hbm>> -> memref<8192x256xf32, #tpu.memory_space<hbm>>
    tpu.wait_indirect_dma semaphore(%arg12 : memref<!tpu.dma_semaphore, #tpu.memory_space<semaphore_mem>>) src(%dma_wait3A_36 : memref<8192x256xf32, #tpu.memory_space<hbm>>) dst(%arg9 : memref<128x256xf32, #tpu.memory_space<vmem>>)
    %add3A_37 = arith.constant 128 : i32
    %add3A_38 = arith.addi %mul3A_2, %add3A_37 : i32
    %dma_start3A_39 = arith.constant 0 : i32
    %dma_start3A_40 = tpu.memref_slice %arg4[%add3A_38, %dma_start3A_39] : memref<16384x256xf32, #tpu.memory_space<hbm>> -> memref<128x256xf32, #tpu.memory_space<hbm>>
    %dma_start3A_41 = arith.constant 0 : i32
    %dma_start3A_42 = tpu.memref_slice %arg4[%add3A_38, %dma_start3A_41] : memref<16384x256xf32, #tpu.memory_space<hbm>> -> memref<128x256xf32, #tpu.memory_space<hbm>>
    tpu.enqueue_dma source(%arg9 : memref<128x256xf32, #tpu.memory_space<vmem>>) target(%dma_start3A_42 : memref<128x256xf32, #tpu.memory_space<hbm>>) target_semaphore(%arg15 : memref<!tpu.dma_semaphore, #tpu.memory_space<semaphore_mem>>)
    %dma_wait3A_43 = arith.constant 0 : i32
    %dma_wait3A_44 = arith.constant 0 : i32
    %dma_wait3A_45 = tpu.memref_slice %arg2[%dma_wait3A_43, %dma_wait3A_44] : memref<8192x256xf32, #tpu.memory_space<hbm>> -> memref<8192x256xf32, #tpu.memory_space<hbm>>
    tpu.wait_indirect_dma semaphore(%arg13 : memref<!tpu.dma_semaphore, #tpu.memory_space<semaphore_mem>>) src(%dma_wait3A_45 : memref<8192x256xf32, #tpu.memory_space<hbm>>) dst(%arg10 : memref<128x256xf32, #tpu.memory_space<vmem>>)
    %add3A_46 = arith.constant 256 : i32
    %add3A_47 = arith.addi %mul3A_2, %add3A_46 : i32
    %dma_start3A_48 = arith.constant 0 : i32
    %dma_start3A_49 = tpu.memref_slice %arg4[%add3A_47, %dma_start3A_48] : memref<16384x256xf32, #tpu.memory_space<hbm>> -> memref<128x256xf32, #tpu.memory_space<hbm>>
    %dma_start3A_50 = arith.constant 0 : i32
    %dma_start3A_51 = tpu.memref_slice %arg4[%add3A_47, %dma_start3A_50] : memref<16384x256xf32, #tpu.memory_space<hbm>> -> memref<128x256xf32, #tpu.memory_space<hbm>>
    tpu.enqueue_dma source(%arg10 : memref<128x256xf32, #tpu.memory_space<vmem>>) target(%dma_start3A_51 : memref<128x256xf32, #tpu.memory_space<hbm>>) target_semaphore(%arg16 : memref<!tpu.dma_semaphore, #tpu.memory_space<semaphore_mem>>)
    %dma_wait3A_52 = arith.constant 0 : i32
    %dma_wait3A_53 = arith.constant 0 : i32
    %dma_wait3A_54 = tpu.memref_slice %arg2[%dma_wait3A_52, %dma_wait3A_53] : memref<8192x256xf32, #tpu.memory_space<hbm>> -> memref<8192x256xf32, #tpu.memory_space<hbm>>
    tpu.wait_indirect_dma semaphore(%arg11 : memref<!tpu.dma_semaphore, #tpu.memory_space<semaphore_mem>>) src(%dma_wait3A_54 : memref<8192x256xf32, #tpu.memory_space<hbm>>) dst(%arg8 : memref<128x256xf32, #tpu.memory_space<vmem>>)
    %add3A_55 = arith.constant 384 : i32
    %add3A_56 = arith.addi %mul3A_2, %add3A_55 : i32
    %dma_start3A_57 = arith.constant 0 : i32
    %dma_start3A_58 = tpu.memref_slice %arg4[%add3A_56, %dma_start3A_57] : memref<16384x256xf32, #tpu.memory_space<hbm>> -> memref<128x256xf32, #tpu.memory_space<hbm>>
    %dma_start3A_59 = arith.constant 0 : i32
    %dma_start3A_60 = tpu.memref_slice %arg4[%add3A_56, %dma_start3A_59] : memref<16384x256xf32, #tpu.memory_space<hbm>> -> memref<128x256xf32, #tpu.memory_space<hbm>>
    tpu.enqueue_dma source(%arg8 : memref<128x256xf32, #tpu.memory_space<vmem>>) target(%dma_start3A_60 : memref<128x256xf32, #tpu.memory_space<hbm>>) target_semaphore(%arg14 : memref<!tpu.dma_semaphore, #tpu.memory_space<semaphore_mem>>)
    %dma_wait3A_61 = arith.constant 0 : i32
    %dma_wait3A_62 = tpu.memref_slice %arg4[%add3A_38, %dma_wait3A_61] : memref<16384x256xf32, #tpu.memory_space<hbm>> -> memref<128x256xf32, #tpu.memory_space<hbm>>
    %dma_wait3A_63 = arith.constant 0 : i32
    %dma_wait3A_64 = tpu.memref_slice %arg4[%add3A_38, %dma_wait3A_63] : memref<16384x256xf32, #tpu.memory_space<hbm>> -> memref<128x256xf32, #tpu.memory_space<hbm>>
    tpu.wait_dma2 semaphore(%arg15 : memref<!tpu.dma_semaphore, #tpu.memory_space<semaphore_mem>>) src(%arg9 : memref<128x256xf32, #tpu.memory_space<vmem>>) dst(%dma_wait3A_64 : memref<128x256xf32, #tpu.memory_space<hbm>>)
    %dma_wait3A_65 = arith.constant 0 : i32
    %dma_wait3A_66 = tpu.memref_slice %arg4[%add3A_47, %dma_wait3A_65] : memref<16384x256xf32, #tpu.memory_space<hbm>> -> memref<128x256xf32, #tpu.memory_space<hbm>>
    %dma_wait3A_67 = arith.constant 0 : i32
    %dma_wait3A_68 = tpu.memref_slice %arg4[%add3A_47, %dma_wait3A_67] : memref<16384x256xf32, #tpu.memory_space<hbm>> -> memref<128x256xf32, #tpu.memory_space<hbm>>
    tpu.wait_dma2 semaphore(%arg16 : memref<!tpu.dma_semaphore, #tpu.memory_space<semaphore_mem>>) src(%arg10 : memref<128x256xf32, #tpu.memory_space<vmem>>) dst(%dma_wait3A_68 : memref<128x256xf32, #tpu.memory_space<hbm>>)
    %dma_wait3A_69 = arith.constant 0 : i32
    %dma_wait3A_70 = tpu.memref_slice %arg4[%add3A_56, %dma_wait3A_69] : memref<16384x256xf32, #tpu.memory_space<hbm>> -> memref<128x256xf32, #tpu.memory_space<hbm>>
    %dma_wait3A_71 = arith.constant 0 : i32
    %dma_wait3A_72 = tpu.memref_slice %arg4[%add3A_56, %dma_wait3A_71] : memref<16384x256xf32, #tpu.memory_space<hbm>> -> memref<128x256xf32, #tpu.memory_space<hbm>>
    tpu.wait_dma2 semaphore(%arg14 : memref<!tpu.dma_semaphore, #tpu.memory_space<semaphore_mem>>) src(%arg8 : memref<128x256xf32, #tpu.memory_space<vmem>>) dst(%dma_wait3A_72 : memref<128x256xf32, #tpu.memory_space<hbm>>)
    return
  }
}

module attributes {stable_mosaic.version = 14 : i64} {
  func.func @_st_body(%arg0: i32, %arg1: memref<2048x256xf32, #tpu.memory_space<vmem>>, %arg2: memref<2048x256xf32, #tpu.memory_space<vmem>>, %arg3: memref<2048x256xf32, #tpu.memory_space<vmem>>, %arg4: memref<1x1xf32, #tpu.memory_space<smem>>) attributes {dimension_semantics = [#tpu.dimension_semantics<arbitrary>], iteration_bounds = array<i64: 8>, scalar_prefetch = 0 : i64, scratch_operands = 0 : i64, tpu.core_type = #tpu.core_type<tc>, window_params = [{transform_indices = @transform_0, window_bounds = array<i64: 2048, 256>}, {transform_indices = @transform_1, window_bounds = array<i64: 2048, 256>}, {transform_indices = @transform_2, window_bounds = array<i64: 2048, 256>}, {transform_indices = @transform_3, window_bounds = array<i64: 1, 1>}]} {
    %get3A = arith.constant 0 : index
    %get3A_0 = arith.constant 0 : index
    %get3A_1 = vector.load %arg1[%get3A, %get3A_0] : memref<2048x256xf32, #tpu.memory_space<vmem>>, vector<2048x256xf32>
    %get3A_2 = arith.constant 0 : index
    %get3A_3 = arith.constant 0 : index
    %get3A_4 = vector.load %arg2[%get3A_2, %get3A_3] : memref<2048x256xf32, #tpu.memory_space<vmem>>, vector<2048x256xf32>
    %sub3A = arith.subf %get3A_1, %get3A_4 : vector<2048x256xf32>
    %add3A = arith.addf %get3A_4, %sub3A : vector<2048x256xf32>
    %swap3A = arith.constant 0 : index
    %swap3A_5 = arith.constant 0 : index
    %swap3A_6 = vector.load %arg3[%swap3A, %swap3A_5] : memref<2048x256xf32, #tpu.memory_space<vmem>>, vector<2048x256xf32>
    tpu.vector_store %arg3[%swap3A, %swap3A_5], %add3A {strides = array<i32>} : memref<2048x256xf32, #tpu.memory_space<vmem>>, vector<2048x256xf32>,
    %mul3A = arith.mulf %sub3A, %sub3A : vector<2048x256xf32>
    %reduce_sum3A = vector.shape_cast %mul3A : vector<2048x256xf32> to vector<1x2048x256xf32>
    %reduce_sum3A_7 = arith.constant dense<0.000000e+00> : vector<1xf32>
    %reduce_sum3A_8 = vector.multi_reduction <add>, %reduce_sum3A, %reduce_sum3A_7 [1, 2] : vector<1x2048x256xf32> to vector<1xf32>
    %reduce_sum3A_9 = vector.shape_cast %reduce_sum3A_8 : vector<1xf32> to vector<1x1x1xf32>
    %reduce_sum3A_10 = vector.extract %reduce_sum3A_9[0, 0, 0] : f32 from vector<1x1x1xf32>
    %eq3A = arith.constant 0 : i32
    %eq3A_11 = arith.cmpi eq, %arg0, %eq3A : i32
    %convert_element_type3A = arith.extui %eq3A_11 : i1 to i32
    %cond3A = arith.constant 0 : i32
    %cond3A_12 = arith.cmpi ne, %convert_element_type3A, %cond3A : i32
    scf.if %cond3A_12 {
      %swap3A_17 = arith.constant 0 : index
      %swap3A_18 = arith.constant 0 : index
      %swap3A_19 = memref.load %arg4[%swap3A_17, %swap3A_18] : memref<1x1xf32, #tpu.memory_space<smem>>
      memref.store %reduce_sum3A_10, %arg4[%swap3A_17, %swap3A_18] : memref<1x1xf32, #tpu.memory_space<smem>>
    } else {
    }
    %gt3A = arith.constant 0 : i32
    %gt3A_13 = arith.cmpi sgt, %arg0, %gt3A : i32
    %convert_element_type3A_14 = arith.extui %gt3A_13 : i1 to i32
    %cond3A_15 = arith.constant 0 : i32
    %cond3A_16 = arith.cmpi ne, %convert_element_type3A_14, %cond3A_15 : i32
    scf.if %cond3A_16 {
      %get3A_17 = arith.constant 0 : index
      %get3A_18 = arith.constant 0 : index
      %get3A_19 = memref.load %arg4[%get3A_17, %get3A_18] : memref<1x1xf32, #tpu.memory_space<smem>>
      %add3A_20 = arith.addf %get3A_19, %reduce_sum3A_10 : f32
      %swap3A_21 = arith.constant 0 : index
      %swap3A_22 = arith.constant 0 : index
      %swap3A_23 = memref.load %arg4[%swap3A_21, %swap3A_22] : memref<1x1xf32, #tpu.memory_space<smem>>
      memref.store %add3A_20, %arg4[%swap3A_21, %swap3A_22] : memref<1x1xf32, #tpu.memory_space<smem>>
    } else {
    }
    return
  }
  func.func @transform_0(%arg0: i32) -> (i32, i32) {
    %c0_i32 = arith.constant 0 : i32
    %c0_i32_0 = arith.constant 0 : i32
    return %arg0, %c0_i32 : i32, i32
  }
  func.func @transform_1(%arg0: i32) -> (i32, i32) {
    %c0_i32 = arith.constant 0 : i32
    %c0_i32_0 = arith.constant 0 : i32
    return %arg0, %c0_i32 : i32, i32
  }
  func.func @transform_2(%arg0: i32) -> (i32, i32) {
    %c0_i32 = arith.constant 0 : i32
    %c0_i32_0 = arith.constant 0 : i32
    return %arg0, %c0_i32 : i32, i32
  }
  func.func @transform_3(%arg0: i32) -> (i32, i32) {
    %c0_i32 = arith.constant 0 : i32
    %c0_i32_0 = arith.constant 0 : i32
    %c0_i32_1 = arith.constant 0 : i32
    return %c0_i32, %c0_i32_0 : i32, i32
  }
}

module attributes {stable_mosaic.version = 14 : i64} {
  func.func @_argmin_body(%arg0: i32, %arg1: memref<1024x256xf32, #tpu.memory_space<vmem>>, %arg2: memref<8192x256xf32, #tpu.memory_space<vmem>>, %arg3: memref<256x256xf32, #tpu.memory_space<vmem>>, %arg4: memref<1024xi32, #tpu.memory_space<vmem>>, %arg5: memref<8192x256xf32, #tpu.memory_space<vmem>>, %arg6: memref<8192x256xf32, #tpu.memory_space<vmem>>, %arg7: memref<1x8192xf32, #tpu.memory_space<vmem>>) attributes {dimension_semantics = [#tpu.dimension_semantics<arbitrary>], iteration_bounds = array<i64: 16>, scalar_prefetch = 0 : i64, scratch_operands = 2 : i64, tpu.core_type = #tpu.core_type<tc>, window_params = [{transform_indices = @transform_0, window_bounds = array<i64: 1024, 256>}, {pipeline_mode = #tpu.pipeline_mode<synchronous>, transform_indices = @transform_1, window_bounds = array<i64: 8192, 256>}, {pipeline_mode = #tpu.pipeline_mode<synchronous>, transform_indices = @transform_2, window_bounds = array<i64: 256, 256>}, {transform_indices = @transform_3, window_bounds = array<i64: 1024>}, {pipeline_mode = #tpu.pipeline_mode<synchronous>, transform_indices = @transform_4, window_bounds = array<i64: 8192, 256>}]} {
    %eq3A = arith.constant 0 : i32
    %eq3A_0 = arith.cmpi eq, %arg0, %eq3A : i32
    %convert_element_type3A = arith.extui %eq3A_0 : i1 to i32
    %cond3A = arith.constant 0 : i32
    %cond3A_1 = arith.cmpi ne, %convert_element_type3A, %cond3A : i32
    scf.if %cond3A_1 {
      %get3A_874 = arith.constant 0 : index
      %get3A_875 = arith.constant 0 : index
      %get3A_876 = vector.load %arg2[%get3A_874, %get3A_875] : memref<8192x256xf32, #tpu.memory_space<vmem>>, vector<8192x256xf32>
      %get3A_877 = arith.constant 0 : index
      %get3A_878 = arith.constant 0 : index
      %get3A_879 = vector.load %arg3[%get3A_877, %get3A_878] : memref<256x256xf32, #tpu.memory_space<vmem>>, vector<256x256xf32>
      %dot_general3A_880 = arith.constant dense<0.000000e+00> : vector<8192x256xf32>
      %dot_general3A_881 = tpu.matmul %get3A_876, %get3A_879, %dot_general3A_880 {dimension_numbers = #tpu.dot_dimension_numbers<[1], [1], [0], [0], [0, 0, 1, 0], [], []>, transpose_lhs_hint = false} : vector<8192x256xf32>, vector<256x256xf32>, vector<8192x256xf32> -> vector<8192x256xf32>
      %swap3A_882 = arith.constant 0 : index
      %swap3A_883 = arith.constant 0 : index
      %swap3A_884 = vector.load %arg6[%swap3A_882, %swap3A_883] : memref<8192x256xf32, #tpu.memory_space<vmem>>, vector<8192x256xf32>
      tpu.vector_store %arg6[%swap3A_882, %swap3A_883], %dot_general3A_881 {strides = array<i32>} : memref<8192x256xf32, #tpu.memory_space<vmem>>, vector<8192x256xf32>,
      %swap3A_885 = arith.constant 0 : index
      %swap3A_886 = arith.constant 0 : index
      %swap3A_887 = vector.load %arg5[%swap3A_885, %swap3A_886] : memref<8192x256xf32, #tpu.memory_space<vmem>>, vector<8192x256xf32>
      tpu.vector_store %arg5[%swap3A_885, %swap3A_886], %dot_general3A_881 {strides = array<i32>} : memref<8192x256xf32, #tpu.memory_space<vmem>>, vector<8192x256xf32>,
      %broadcast_in_dim3A_888 = arith.constant 1.000000e+00 : f32
      %broadcast_in_dim3A_889 = vector.broadcast %broadcast_in_dim3A_888 : f32 to vector<1x256xf32>
      %mul3A_890 = arith.mulf %dot_general3A_881, %dot_general3A_881 : vector<8192x256xf32>
      %dot_general3A_891 = arith.constant dense<0.000000e+00> : vector<1x8192xf32>
      %dot_general3A_892 = tpu.matmul %broadcast_in_dim3A_889, %mul3A_890, %dot_general3A_891 {dimension_numbers = #tpu.dot_dimension_numbers<[1], [1], [0], [0], [0, 0, 1, 0], [], []>, transpose_lhs_hint = false} : vector<1x256xf32>, vector<8192x256xf32>, vector<1x8192xf32> -> vector<1x8192xf32>
      %swap3A_893 = arith.constant 0 : index
      %swap3A_894 = arith.constant 0 : index
      %swap3A_895 = vector.load %arg7[%swap3A_893, %swap3A_894] : memref<1x8192xf32, #tpu.memory_space<vmem>>, vector<1x8192xf32>
      tpu.vector_store %arg7[%swap3A_893, %swap3A_894], %dot_general3A_892 {strides = array<i32>} : memref<1x8192xf32, #tpu.memory_space<vmem>>, vector<1x8192xf32>,
    } else {
    }
    %get3A = arith.constant 0 : index
    %get3A_2 = arith.constant 0 : index
    %get3A_3 = vector.load %arg1[%get3A, %get3A_2] : memref<1024x256xf32, #tpu.memory_space<vmem>>, vector<1024x256xf32>
    %mul3A = arith.mulf %get3A_3, %get3A_3 : vector<1024x256xf32>
    %reduce_sum3A = arith.constant dense<0.000000e+00> : vector<1024xf32>
    %reduce_sum3A_4 = vector.multi_reduction <add>, %mul3A, %reduce_sum3A [1] : vector<1024x256xf32> to vector<1024xf32>
    %broadcast_in_dim3A = vector.shape_cast %reduce_sum3A_4 : vector<1024xf32> to vector<1024x1xf32>
    %mul3A_5 = arith.constant -2.000000e+00 : f32
    %mul3A_6 = vector.broadcast %mul3A_5 : f32 to vector<1024x256xf32>
    %mul3A_7 = arith.mulf %get3A_3, %mul3A_6 : vector<1024x256xf32>
    %iota3A = tpu.iota {dimensions = array<i32: 1>} : vector<1024x128xi32>
    %convert_element_type3A_8 = arith.sitofp %iota3A : vector<1024x128xi32> to vector<1024x128xf32>
    %broadcast_in_dim3A_9 = arith.constant 0x7F800000 : f32
    %broadcast_in_dim3A_10 = vector.broadcast %broadcast_in_dim3A_9 : f32 to vector<1024x128xf32>
    %broadcast_in_dim3A_11 = arith.constant 0.000000e+00 : f32
    %broadcast_in_dim3A_12 = vector.broadcast %broadcast_in_dim3A_11 : f32 to vector<1024x128xf32>
    %get3A_13 = arith.constant 0 : index
    %get3A_14 = arith.constant 0 : index
    %get3A_15 = vector.load %arg6[%get3A_13, %get3A_14] : memref<8192x256xf32, #tpu.memory_space<vmem>>, vector<2048x256xf32>
    %dot_general3A = arith.constant dense<0.000000e+00> : vector<1024x2048xf32>
    %dot_general3A_16 = tpu.matmul %mul3A_7, %get3A_15, %dot_general3A {dimension_numbers = #tpu.dot_dimension_numbers<[1], [1], [0], [0], [0, 0, 1, 0], [], []>, transpose_lhs_hint = false} : vector<1024x256xf32>, vector<2048x256xf32>, vector<1024x2048xf32> -> vector<1024x2048xf32>
    %get3A_17 = arith.constant 2048 : index
    %get3A_18 = arith.constant 0 : index
    %get3A_19 = vector.load %arg6[%get3A_17, %get3A_18] : memref<8192x256xf32, #tpu.memory_space<vmem>>, vector<2048x256xf32>
    %dot_general3A_20 = arith.constant dense<0.000000e+00> : vector<1024x2048xf32>
    %dot_general3A_21 = tpu.matmul %mul3A_7, %get3A_19, %dot_general3A_20 {dimension_numbers = #tpu.dot_dimension_numbers<[1], [1], [0], [0], [0, 0, 1, 0], [], []>, transpose_lhs_hint = false} : vector<1024x256xf32>, vector<2048x256xf32>, vector<1024x2048xf32> -> vector<1024x2048xf32>
    %get3A_22 = arith.constant 0 : index
    %get3A_23 = arith.constant 0 : index
    %get3A_24 = vector.load %arg7[%get3A_22, %get3A_23] : memref<1x8192xf32, #tpu.memory_space<vmem>>, vector<1x128xf32>
    %add3A = vector.broadcast %broadcast_in_dim3A : vector<1024x1xf32> to vector<1024x128xf32>
    %add3A_25 = vector.broadcast %get3A_24 : vector<1x128xf32> to vector<1024x128xf32>
    %add3A_26 = arith.addf %add3A, %add3A_25 : vector<1024x128xf32>
    %slice3A = vector.extract_strided_slice %dot_general3A_16 {offsets = [0, 0], sizes = [1024, 128], strides = [1, 1]} : vector<1024x2048xf32> to vector<1024x128xf32>
    %add3A_27 = arith.addf %add3A_26, %slice3A : vector<1024x128xf32>
    %lt3A = arith.cmpf olt, %add3A_27, %broadcast_in_dim3A_10 : vector<1024x128xf32>
    %select_n3A = arith.select %lt3A, %add3A_27, %broadcast_in_dim3A_10 : vector<1024x128xi1>, vector<1024x128xf32>
    %jit3A = arith.constant 0.000000e+00 : f32
    %broadcast_in_dim3A_28 = vector.broadcast %jit3A : f32 to vector<1024x128xf32>
    %select_n3A_29 = arith.select %lt3A, %broadcast_in_dim3A_28, %broadcast_in_dim3A_12 : vector<1024x128xi1>, vector<1024x128xf32>
    %get3A_30 = arith.constant 0 : index
    %get3A_31 = arith.constant 128 : index
    %get3A_32 = vector.load %arg7[%get3A_30, %get3A_31] : memref<1x8192xf32, #tpu.memory_space<vmem>>, vector<1x128xf32>
    %add3A_33 = vector.broadcast %broadcast_in_dim3A : vector<1024x1xf32> to vector<1024x128xf32>
    %add3A_34 = vector.broadcast %get3A_32 : vector<1x128xf32> to vector<1024x128xf32>
    %add3A_35 = arith.addf %add3A_33, %add3A_34 : vector<1024x128xf32>
    %slice3A_36 = vector.extract_strided_slice %dot_general3A_16 {offsets = [0, 128], sizes = [1024, 128], strides = [1, 1]} : vector<1024x2048xf32> to vector<1024x128xf32>
    %add3A_37 = arith.addf %add3A_35, %slice3A_36 : vector<1024x128xf32>
    %lt3A_38 = arith.cmpf olt, %add3A_37, %select_n3A : vector<1024x128xf32>
    %select_n3A_39 = arith.select %lt3A_38, %add3A_37, %select_n3A : vector<1024x128xi1>, vector<1024x128xf32>
    %jit3A_40 = arith.constant 1.000000e+00 : f32
    %broadcast_in_dim3A_41 = vector.broadcast %jit3A_40 : f32 to vector<1024x128xf32>
    %select_n3A_42 = arith.select %lt3A_38, %broadcast_in_dim3A_41, %select_n3A_29 : vector<1024x128xi1>, vector<1024x128xf32>
    %get3A_43 = arith.constant 0 : index
    %get3A_44 = arith.constant 256 : index
    %get3A_45 = vector.load %arg7[%get3A_43, %get3A_44] : memref<1x8192xf32, #tpu.memory_space<vmem>>, vector<1x128xf32>
    %add3A_46 = vector.broadcast %broadcast_in_dim3A : vector<1024x1xf32> to vector<1024x128xf32>
    %add3A_47 = vector.broadcast %get3A_45 : vector<1x128xf32> to vector<1024x128xf32>
    %add3A_48 = arith.addf %add3A_46, %add3A_47 : vector<1024x128xf32>
    %slice3A_49 = vector.extract_strided_slice %dot_general3A_16 {offsets = [0, 256], sizes = [1024, 128], strides = [1, 1]} : vector<1024x2048xf32> to vector<1024x128xf32>
    %add3A_50 = arith.addf %add3A_48, %slice3A_49 : vector<1024x128xf32>
    %lt3A_51 = arith.cmpf olt, %add3A_50, %select_n3A_39 : vector<1024x128xf32>
    %select_n3A_52 = arith.select %lt3A_51, %add3A_50, %select_n3A_39 : vector<1024x128xi1>, vector<1024x128xf32>
    %jit3A_53 = arith.constant 2.000000e+00 : f32
    %broadcast_in_dim3A_54 = vector.broadcast %jit3A_53 : f32 to vector<1024x128xf32>
    %select_n3A_55 = arith.select %lt3A_51, %broadcast_in_dim3A_54, %select_n3A_42 : vector<1024x128xi1>, vector<1024x128xf32>
    %get3A_56 = arith.constant 0 : index
    %get3A_57 = arith.constant 384 : index
    %get3A_58 = vector.load %arg7[%get3A_56, %get3A_57] : memref<1x8192xf32, #tpu.memory_space<vmem>>, vector<1x128xf32>
    %add3A_59 = vector.broadcast %broadcast_in_dim3A : vector<1024x1xf32> to vector<1024x128xf32>
    %add3A_60 = vector.broadcast %get3A_58 : vector<1x128xf32> to vector<1024x128xf32>
    %add3A_61 = arith.addf %add3A_59, %add3A_60 : vector<1024x128xf32>
    %slice3A_62 = vector.extract_strided_slice %dot_general3A_16 {offsets = [0, 384], sizes = [1024, 128], strides = [1, 1]} : vector<1024x2048xf32> to vector<1024x128xf32>
    %add3A_63 = arith.addf %add3A_61, %slice3A_62 : vector<1024x128xf32>
    %lt3A_64 = arith.cmpf olt, %add3A_63, %select_n3A_52 : vector<1024x128xf32>
    %select_n3A_65 = arith.select %lt3A_64, %add3A_63, %select_n3A_52 : vector<1024x128xi1>, vector<1024x128xf32>
    %jit3A_66 = arith.constant 3.000000e+00 : f32
    %broadcast_in_dim3A_67 = vector.broadcast %jit3A_66 : f32 to vector<1024x128xf32>
    %select_n3A_68 = arith.select %lt3A_64, %broadcast_in_dim3A_67, %select_n3A_55 : vector<1024x128xi1>, vector<1024x128xf32>
    %get3A_69 = arith.constant 0 : index
    %get3A_70 = arith.constant 512 : index
    %get3A_71 = vector.load %arg7[%get3A_69, %get3A_70] : memref<1x8192xf32, #tpu.memory_space<vmem>>, vector<1x128xf32>
    %add3A_72 = vector.broadcast %broadcast_in_dim3A : vector<1024x1xf32> to vector<1024x128xf32>
    %add3A_73 = vector.broadcast %get3A_71 : vector<1x128xf32> to vector<1024x128xf32>
    %add3A_74 = arith.addf %add3A_72, %add3A_73 : vector<1024x128xf32>
    %slice3A_75 = vector.extract_strided_slice %dot_general3A_16 {offsets = [0, 512], sizes = [1024, 128], strides = [1, 1]} : vector<1024x2048xf32> to vector<1024x128xf32>
    %add3A_76 = arith.addf %add3A_74, %slice3A_75 : vector<1024x128xf32>
    %lt3A_77 = arith.cmpf olt, %add3A_76, %select_n3A_65 : vector<1024x128xf32>
    %select_n3A_78 = arith.select %lt3A_77, %add3A_76, %select_n3A_65 : vector<1024x128xi1>, vector<1024x128xf32>
    %jit3A_79 = arith.constant 4.000000e+00 : f32
    %broadcast_in_dim3A_80 = vector.broadcast %jit3A_79 : f32 to vector<1024x128xf32>
    %select_n3A_81 = arith.select %lt3A_77, %broadcast_in_dim3A_80, %select_n3A_68 : vector<1024x128xi1>, vector<1024x128xf32>
    %get3A_82 = arith.constant 0 : index
    %get3A_83 = arith.constant 640 : index
    %get3A_84 = vector.load %arg7[%get3A_82, %get3A_83] : memref<1x8192xf32, #tpu.memory_space<vmem>>, vector<1x128xf32>
    %add3A_85 = vector.broadcast %broadcast_in_dim3A : vector<1024x1xf32> to vector<1024x128xf32>
    %add3A_86 = vector.broadcast %get3A_84 : vector<1x128xf32> to vector<1024x128xf32>
    %add3A_87 = arith.addf %add3A_85, %add3A_86 : vector<1024x128xf32>
    %slice3A_88 = vector.extract_strided_slice %dot_general3A_16 {offsets = [0, 640], sizes = [1024, 128], strides = [1, 1]} : vector<1024x2048xf32> to vector<1024x128xf32>
    %add3A_89 = arith.addf %add3A_87, %slice3A_88 : vector<1024x128xf32>
    %lt3A_90 = arith.cmpf olt, %add3A_89, %select_n3A_78 : vector<1024x128xf32>
    %select_n3A_91 = arith.select %lt3A_90, %add3A_89, %select_n3A_78 : vector<1024x128xi1>, vector<1024x128xf32>
    %jit3A_92 = arith.constant 5.000000e+00 : f32
    %broadcast_in_dim3A_93 = vector.broadcast %jit3A_92 : f32 to vector<1024x128xf32>
    %select_n3A_94 = arith.select %lt3A_90, %broadcast_in_dim3A_93, %select_n3A_81 : vector<1024x128xi1>, vector<1024x128xf32>
    %get3A_95 = arith.constant 0 : index
    %get3A_96 = arith.constant 768 : index
    %get3A_97 = vector.load %arg7[%get3A_95, %get3A_96] : memref<1x8192xf32, #tpu.memory_space<vmem>>, vector<1x128xf32>
    %add3A_98 = vector.broadcast %broadcast_in_dim3A : vector<1024x1xf32> to vector<1024x128xf32>
    %add3A_99 = vector.broadcast %get3A_97 : vector<1x128xf32> to vector<1024x128xf32>
    %add3A_100 = arith.addf %add3A_98, %add3A_99 : vector<1024x128xf32>
    %slice3A_101 = vector.extract_strided_slice %dot_general3A_16 {offsets = [0, 768], sizes = [1024, 128], strides = [1, 1]} : vector<1024x2048xf32> to vector<1024x128xf32>
    %add3A_102 = arith.addf %add3A_100, %slice3A_101 : vector<1024x128xf32>
    %lt3A_103 = arith.cmpf olt, %add3A_102, %select_n3A_91 : vector<1024x128xf32>
    %select_n3A_104 = arith.select %lt3A_103, %add3A_102, %select_n3A_91 : vector<1024x128xi1>, vector<1024x128xf32>
    %jit3A_105 = arith.constant 6.000000e+00 : f32
    %broadcast_in_dim3A_106 = vector.broadcast %jit3A_105 : f32 to vector<1024x128xf32>
    %select_n3A_107 = arith.select %lt3A_103, %broadcast_in_dim3A_106, %select_n3A_94 : vector<1024x128xi1>, vector<1024x128xf32>
    %get3A_108 = arith.constant 0 : index
    %get3A_109 = arith.constant 896 : index
    %get3A_110 = vector.load %arg7[%get3A_108, %get3A_109] : memref<1x8192xf32, #tpu.memory_space<vmem>>, vector<1x128xf32>
    %add3A_111 = vector.broadcast %broadcast_in_dim3A : vector<1024x1xf32> to vector<1024x128xf32>
    %add3A_112 = vector.broadcast %get3A_110 : vector<1x128xf32> to vector<1024x128xf32>
    %add3A_113 = arith.addf %add3A_111, %add3A_112 : vector<1024x128xf32>
    %slice3A_114 = vector.extract_strided_slice %dot_general3A_16 {offsets = [0, 896], sizes = [1024, 128], strides = [1, 1]} : vector<1024x2048xf32> to vector<1024x128xf32>
    %add3A_115 = arith.addf %add3A_113, %slice3A_114 : vector<1024x128xf32>
    %lt3A_116 = arith.cmpf olt, %add3A_115, %select_n3A_104 : vector<1024x128xf32>
    %select_n3A_117 = arith.select %lt3A_116, %add3A_115, %select_n3A_104 : vector<1024x128xi1>, vector<1024x128xf32>
    %jit3A_118 = arith.constant 7.000000e+00 : f32
    %broadcast_in_dim3A_119 = vector.broadcast %jit3A_118 : f32 to vector<1024x128xf32>
    %select_n3A_120 = arith.select %lt3A_116, %broadcast_in_dim3A_119, %select_n3A_107 : vector<1024x128xi1>, vector<1024x128xf32>
    %get3A_121 = arith.constant 0 : index
    %get3A_122 = arith.constant 1024 : index
    %get3A_123 = vector.load %arg7[%get3A_121, %get3A_122] : memref<1x8192xf32, #tpu.memory_space<vmem>>, vector<1x128xf32>
    %add3A_124 = vector.broadcast %broadcast_in_dim3A : vector<1024x1xf32> to vector<1024x128xf32>
    %add3A_125 = vector.broadcast %get3A_123 : vector<1x128xf32> to vector<1024x128xf32>
    %add3A_126 = arith.addf %add3A_124, %add3A_125 : vector<1024x128xf32>
    %slice3A_127 = vector.extract_strided_slice %dot_general3A_16 {offsets = [0, 1024], sizes = [1024, 128], strides = [1, 1]} : vector<1024x2048xf32> to vector<1024x128xf32>
    %add3A_128 = arith.addf %add3A_126, %slice3A_127 : vector<1024x128xf32>
    %lt3A_129 = arith.cmpf olt, %add3A_128, %select_n3A_117 : vector<1024x128xf32>
    %select_n3A_130 = arith.select %lt3A_129, %add3A_128, %select_n3A_117 : vector<1024x128xi1>, vector<1024x128xf32>
    %jit3A_131 = arith.constant 8.000000e+00 : f32
    %broadcast_in_dim3A_132 = vector.broadcast %jit3A_131 : f32 to vector<1024x128xf32>
    %select_n3A_133 = arith.select %lt3A_129, %broadcast_in_dim3A_132, %select_n3A_120 : vector<1024x128xi1>, vector<1024x128xf32>
    %get3A_134 = arith.constant 0 : index
    %get3A_135 = arith.constant 1152 : index
    %get3A_136 = vector.load %arg7[%get3A_134, %get3A_135] : memref<1x8192xf32, #tpu.memory_space<vmem>>, vector<1x128xf32>
    %add3A_137 = vector.broadcast %broadcast_in_dim3A : vector<1024x1xf32> to vector<1024x128xf32>
    %add3A_138 = vector.broadcast %get3A_136 : vector<1x128xf32> to vector<1024x128xf32>
    %add3A_139 = arith.addf %add3A_137, %add3A_138 : vector<1024x128xf32>
    %slice3A_140 = vector.extract_strided_slice %dot_general3A_16 {offsets = [0, 1152], sizes = [1024, 128], strides = [1, 1]} : vector<1024x2048xf32> to vector<1024x128xf32>
    %add3A_141 = arith.addf %add3A_139, %slice3A_140 : vector<1024x128xf32>
    %lt3A_142 = arith.cmpf olt, %add3A_141, %select_n3A_130 : vector<1024x128xf32>
    %select_n3A_143 = arith.select %lt3A_142, %add3A_141, %select_n3A_130 : vector<1024x128xi1>, vector<1024x128xf32>
    %jit3A_144 = arith.constant 9.000000e+00 : f32
    %broadcast_in_dim3A_145 = vector.broadcast %jit3A_144 : f32 to vector<1024x128xf32>
    %select_n3A_146 = arith.select %lt3A_142, %broadcast_in_dim3A_145, %select_n3A_133 : vector<1024x128xi1>, vector<1024x128xf32>
    %get3A_147 = arith.constant 0 : index
    %get3A_148 = arith.constant 1280 : index
    %get3A_149 = vector.load %arg7[%get3A_147, %get3A_148] : memref<1x8192xf32, #tpu.memory_space<vmem>>, vector<1x128xf32>
    %add3A_150 = vector.broadcast %broadcast_in_dim3A : vector<1024x1xf32> to vector<1024x128xf32>
    %add3A_151 = vector.broadcast %get3A_149 : vector<1x128xf32> to vector<1024x128xf32>
    %add3A_152 = arith.addf %add3A_150, %add3A_151 : vector<1024x128xf32>
    %slice3A_153 = vector.extract_strided_slice %dot_general3A_16 {offsets = [0, 1280], sizes = [1024, 128], strides = [1, 1]} : vector<1024x2048xf32> to vector<1024x128xf32>
    %add3A_154 = arith.addf %add3A_152, %slice3A_153 : vector<1024x128xf32>
    %lt3A_155 = arith.cmpf olt, %add3A_154, %select_n3A_143 : vector<1024x128xf32>
    %select_n3A_156 = arith.select %lt3A_155, %add3A_154, %select_n3A_143 : vector<1024x128xi1>, vector<1024x128xf32>
    %jit3A_157 = arith.constant 1.000000e+01 : f32
    %broadcast_in_dim3A_158 = vector.broadcast %jit3A_157 : f32 to vector<1024x128xf32>
    %select_n3A_159 = arith.select %lt3A_155, %broadcast_in_dim3A_158, %select_n3A_146 : vector<1024x128xi1>, vector<1024x128xf32>
    %get3A_160 = arith.constant 0 : index
    %get3A_161 = arith.constant 1408 : index
    %get3A_162 = vector.load %arg7[%get3A_160, %get3A_161] : memref<1x8192xf32, #tpu.memory_space<vmem>>, vector<1x128xf32>
    %add3A_163 = vector.broadcast %broadcast_in_dim3A : vector<1024x1xf32> to vector<1024x128xf32>
    %add3A_164 = vector.broadcast %get3A_162 : vector<1x128xf32> to vector<1024x128xf32>
    %add3A_165 = arith.addf %add3A_163, %add3A_164 : vector<1024x128xf32>
    %slice3A_166 = vector.extract_strided_slice %dot_general3A_16 {offsets = [0, 1408], sizes = [1024, 128], strides = [1, 1]} : vector<1024x2048xf32> to vector<1024x128xf32>
    %add3A_167 = arith.addf %add3A_165, %slice3A_166 : vector<1024x128xf32>
    %lt3A_168 = arith.cmpf olt, %add3A_167, %select_n3A_156 : vector<1024x128xf32>
    %select_n3A_169 = arith.select %lt3A_168, %add3A_167, %select_n3A_156 : vector<1024x128xi1>, vector<1024x128xf32>
    %jit3A_170 = arith.constant 1.100000e+01 : f32
    %broadcast_in_dim3A_171 = vector.broadcast %jit3A_170 : f32 to vector<1024x128xf32>
    %select_n3A_172 = arith.select %lt3A_168, %broadcast_in_dim3A_171, %select_n3A_159 : vector<1024x128xi1>, vector<1024x128xf32>
    %get3A_173 = arith.constant 0 : index
    %get3A_174 = arith.constant 1536 : index
    %get3A_175 = vector.load %arg7[%get3A_173, %get3A_174] : memref<1x8192xf32, #tpu.memory_space<vmem>>, vector<1x128xf32>
    %add3A_176 = vector.broadcast %broadcast_in_dim3A : vector<1024x1xf32> to vector<1024x128xf32>
    %add3A_177 = vector.broadcast %get3A_175 : vector<1x128xf32> to vector<1024x128xf32>
    %add3A_178 = arith.addf %add3A_176, %add3A_177 : vector<1024x128xf32>
    %slice3A_179 = vector.extract_strided_slice %dot_general3A_16 {offsets = [0, 1536], sizes = [1024, 128], strides = [1, 1]} : vector<1024x2048xf32> to vector<1024x128xf32>
    %add3A_180 = arith.addf %add3A_178, %slice3A_179 : vector<1024x128xf32>
    %lt3A_181 = arith.cmpf olt, %add3A_180, %select_n3A_169 : vector<1024x128xf32>
    %select_n3A_182 = arith.select %lt3A_181, %add3A_180, %select_n3A_169 : vector<1024x128xi1>, vector<1024x128xf32>
    %jit3A_183 = arith.constant 1.200000e+01 : f32
    %broadcast_in_dim3A_184 = vector.broadcast %jit3A_183 : f32 to vector<1024x128xf32>
    %select_n3A_185 = arith.select %lt3A_181, %broadcast_in_dim3A_184, %select_n3A_172 : vector<1024x128xi1>, vector<1024x128xf32>
    %get3A_186 = arith.constant 0 : index
    %get3A_187 = arith.constant 1664 : index
    %get3A_188 = vector.load %arg7[%get3A_186, %get3A_187] : memref<1x8192xf32, #tpu.memory_space<vmem>>, vector<1x128xf32>
    %add3A_189 = vector.broadcast %broadcast_in_dim3A : vector<1024x1xf32> to vector<1024x128xf32>
    %add3A_190 = vector.broadcast %get3A_188 : vector<1x128xf32> to vector<1024x128xf32>
    %add3A_191 = arith.addf %add3A_189, %add3A_190 : vector<1024x128xf32>
    %slice3A_192 = vector.extract_strided_slice %dot_general3A_16 {offsets = [0, 1664], sizes = [1024, 128], strides = [1, 1]} : vector<1024x2048xf32> to vector<1024x128xf32>
    %add3A_193 = arith.addf %add3A_191, %slice3A_192 : vector<1024x128xf32>
    %lt3A_194 = arith.cmpf olt, %add3A_193, %select_n3A_182 : vector<1024x128xf32>
    %select_n3A_195 = arith.select %lt3A_194, %add3A_193, %select_n3A_182 : vector<1024x128xi1>, vector<1024x128xf32>
    %jit3A_196 = arith.constant 1.300000e+01 : f32
    %broadcast_in_dim3A_197 = vector.broadcast %jit3A_196 : f32 to vector<1024x128xf32>
    %select_n3A_198 = arith.select %lt3A_194, %broadcast_in_dim3A_197, %select_n3A_185 : vector<1024x128xi1>, vector<1024x128xf32>
    %get3A_199 = arith.constant 0 : index
    %get3A_200 = arith.constant 1792 : index
    %get3A_201 = vector.load %arg7[%get3A_199, %get3A_200] : memref<1x8192xf32, #tpu.memory_space<vmem>>, vector<1x128xf32>
    %add3A_202 = vector.broadcast %broadcast_in_dim3A : vector<1024x1xf32> to vector<1024x128xf32>
    %add3A_203 = vector.broadcast %get3A_201 : vector<1x128xf32> to vector<1024x128xf32>
    %add3A_204 = arith.addf %add3A_202, %add3A_203 : vector<1024x128xf32>
    %slice3A_205 = vector.extract_strided_slice %dot_general3A_16 {offsets = [0, 1792], sizes = [1024, 128], strides = [1, 1]} : vector<1024x2048xf32> to vector<1024x128xf32>
    %add3A_206 = arith.addf %add3A_204, %slice3A_205 : vector<1024x128xf32>
    %lt3A_207 = arith.cmpf olt, %add3A_206, %select_n3A_195 : vector<1024x128xf32>
    %select_n3A_208 = arith.select %lt3A_207, %add3A_206, %select_n3A_195 : vector<1024x128xi1>, vector<1024x128xf32>
    %jit3A_209 = arith.constant 1.400000e+01 : f32
    %broadcast_in_dim3A_210 = vector.broadcast %jit3A_209 : f32 to vector<1024x128xf32>
    %select_n3A_211 = arith.select %lt3A_207, %broadcast_in_dim3A_210, %select_n3A_198 : vector<1024x128xi1>, vector<1024x128xf32>
    %get3A_212 = arith.constant 0 : index
    %get3A_213 = arith.constant 1920 : index
    %get3A_214 = vector.load %arg7[%get3A_212, %get3A_213] : memref<1x8192xf32, #tpu.memory_space<vmem>>, vector<1x128xf32>
    %add3A_215 = vector.broadcast %broadcast_in_dim3A : vector<1024x1xf32> to vector<1024x128xf32>
    %add3A_216 = vector.broadcast %get3A_214 : vector<1x128xf32> to vector<1024x128xf32>
    %add3A_217 = arith.addf %add3A_215, %add3A_216 : vector<1024x128xf32>
    %slice3A_218 = vector.extract_strided_slice %dot_general3A_16 {offsets = [0, 1920], sizes = [1024, 128], strides = [1, 1]} : vector<1024x2048xf32> to vector<1024x128xf32>
    %add3A_219 = arith.addf %add3A_217, %slice3A_218 : vector<1024x128xf32>
    %lt3A_220 = arith.cmpf olt, %add3A_219, %select_n3A_208 : vector<1024x128xf32>
    %select_n3A_221 = arith.select %lt3A_220, %add3A_219, %select_n3A_208 : vector<1024x128xi1>, vector<1024x128xf32>
    %jit3A_222 = arith.constant 1.500000e+01 : f32
    %broadcast_in_dim3A_223 = vector.broadcast %jit3A_222 : f32 to vector<1024x128xf32>
    %select_n3A_224 = arith.select %lt3A_220, %broadcast_in_dim3A_223, %select_n3A_211 : vector<1024x128xi1>, vector<1024x128xf32>
    %get3A_225 = arith.constant 4096 : index
    %get3A_226 = arith.constant 0 : index
    %get3A_227 = vector.load %arg6[%get3A_225, %get3A_226] : memref<8192x256xf32, #tpu.memory_space<vmem>>, vector<2048x256xf32>
    %dot_general3A_228 = arith.constant dense<0.000000e+00> : vector<1024x2048xf32>
    %dot_general3A_229 = tpu.matmul %mul3A_7, %get3A_227, %dot_general3A_228 {dimension_numbers = #tpu.dot_dimension_numbers<[1], [1], [0], [0], [0, 0, 1, 0], [], []>, transpose_lhs_hint = false} : vector<1024x256xf32>, vector<2048x256xf32>, vector<1024x2048xf32> -> vector<1024x2048xf32>
    %get3A_230 = arith.constant 0 : index
    %get3A_231 = arith.constant 2048 : index
    %get3A_232 = vector.load %arg7[%get3A_230, %get3A_231] : memref<1x8192xf32, #tpu.memory_space<vmem>>, vector<1x128xf32>
    %add3A_233 = vector.broadcast %broadcast_in_dim3A : vector<1024x1xf32> to vector<1024x128xf32>
    %add3A_234 = vector.broadcast %get3A_232 : vector<1x128xf32> to vector<1024x128xf32>
    %add3A_235 = arith.addf %add3A_233, %add3A_234 : vector<1024x128xf32>
    %slice3A_236 = vector.extract_strided_slice %dot_general3A_21 {offsets = [0, 0], sizes = [1024, 128], strides = [1, 1]} : vector<1024x2048xf32> to vector<1024x128xf32>
    %add3A_237 = arith.addf %add3A_235, %slice3A_236 : vector<1024x128xf32>
    %lt3A_238 = arith.cmpf olt, %add3A_237, %select_n3A_221 : vector<1024x128xf32>
    %select_n3A_239 = arith.select %lt3A_238, %add3A_237, %select_n3A_221 : vector<1024x128xi1>, vector<1024x128xf32>
    %jit3A_240 = arith.constant 1.600000e+01 : f32
    %broadcast_in_dim3A_241 = vector.broadcast %jit3A_240 : f32 to vector<1024x128xf32>
    %select_n3A_242 = arith.select %lt3A_238, %broadcast_in_dim3A_241, %select_n3A_224 : vector<1024x128xi1>, vector<1024x128xf32>
    %get3A_243 = arith.constant 0 : index
    %get3A_244 = arith.constant 2176 : index
    %get3A_245 = vector.load %arg7[%get3A_243, %get3A_244] : memref<1x8192xf32, #tpu.memory_space<vmem>>, vector<1x128xf32>
    %add3A_246 = vector.broadcast %broadcast_in_dim3A : vector<1024x1xf32> to vector<1024x128xf32>
    %add3A_247 = vector.broadcast %get3A_245 : vector<1x128xf32> to vector<1024x128xf32>
    %add3A_248 = arith.addf %add3A_246, %add3A_247 : vector<1024x128xf32>
    %slice3A_249 = vector.extract_strided_slice %dot_general3A_21 {offsets = [0, 128], sizes = [1024, 128], strides = [1, 1]} : vector<1024x2048xf32> to vector<1024x128xf32>
    %add3A_250 = arith.addf %add3A_248, %slice3A_249 : vector<1024x128xf32>
    %lt3A_251 = arith.cmpf olt, %add3A_250, %select_n3A_239 : vector<1024x128xf32>
    %select_n3A_252 = arith.select %lt3A_251, %add3A_250, %select_n3A_239 : vector<1024x128xi1>, vector<1024x128xf32>
    %jit3A_253 = arith.constant 1.700000e+01 : f32
    %broadcast_in_dim3A_254 = vector.broadcast %jit3A_253 : f32 to vector<1024x128xf32>
    %select_n3A_255 = arith.select %lt3A_251, %broadcast_in_dim3A_254, %select_n3A_242 : vector<1024x128xi1>, vector<1024x128xf32>
    %get3A_256 = arith.constant 0 : index
    %get3A_257 = arith.constant 2304 : index
    %get3A_258 = vector.load %arg7[%get3A_256, %get3A_257] : memref<1x8192xf32, #tpu.memory_space<vmem>>, vector<1x128xf32>
    %add3A_259 = vector.broadcast %broadcast_in_dim3A : vector<1024x1xf32> to vector<1024x128xf32>
    %add3A_260 = vector.broadcast %get3A_258 : vector<1x128xf32> to vector<1024x128xf32>
    %add3A_261 = arith.addf %add3A_259, %add3A_260 : vector<1024x128xf32>
    %slice3A_262 = vector.extract_strided_slice %dot_general3A_21 {offsets = [0, 256], sizes = [1024, 128], strides = [1, 1]} : vector<1024x2048xf32> to vector<1024x128xf32>
    %add3A_263 = arith.addf %add3A_261, %slice3A_262 : vector<1024x128xf32>
    %lt3A_264 = arith.cmpf olt, %add3A_263, %select_n3A_252 : vector<1024x128xf32>
    %select_n3A_265 = arith.select %lt3A_264, %add3A_263, %select_n3A_252 : vector<1024x128xi1>, vector<1024x128xf32>
    %jit3A_266 = arith.constant 1.800000e+01 : f32
    %broadcast_in_dim3A_267 = vector.broadcast %jit3A_266 : f32 to vector<1024x128xf32>
    %select_n3A_268 = arith.select %lt3A_264, %broadcast_in_dim3A_267, %select_n3A_255 : vector<1024x128xi1>, vector<1024x128xf32>
    %get3A_269 = arith.constant 0 : index
    %get3A_270 = arith.constant 2432 : index
    %get3A_271 = vector.load %arg7[%get3A_269, %get3A_270] : memref<1x8192xf32, #tpu.memory_space<vmem>>, vector<1x128xf32>
    %add3A_272 = vector.broadcast %broadcast_in_dim3A : vector<1024x1xf32> to vector<1024x128xf32>
    %add3A_273 = vector.broadcast %get3A_271 : vector<1x128xf32> to vector<1024x128xf32>
    %add3A_274 = arith.addf %add3A_272, %add3A_273 : vector<1024x128xf32>
    %slice3A_275 = vector.extract_strided_slice %dot_general3A_21 {offsets = [0, 384], sizes = [1024, 128], strides = [1, 1]} : vector<1024x2048xf32> to vector<1024x128xf32>
    %add3A_276 = arith.addf %add3A_274, %slice3A_275 : vector<1024x128xf32>
    %lt3A_277 = arith.cmpf olt, %add3A_276, %select_n3A_265 : vector<1024x128xf32>
    %select_n3A_278 = arith.select %lt3A_277, %add3A_276, %select_n3A_265 : vector<1024x128xi1>, vector<1024x128xf32>
    %jit3A_279 = arith.constant 1.900000e+01 : f32
    %broadcast_in_dim3A_280 = vector.broadcast %jit3A_279 : f32 to vector<1024x128xf32>
    %select_n3A_281 = arith.select %lt3A_277, %broadcast_in_dim3A_280, %select_n3A_268 : vector<1024x128xi1>, vector<1024x128xf32>
    %get3A_282 = arith.constant 0 : index
    %get3A_283 = arith.constant 2560 : index
    %get3A_284 = vector.load %arg7[%get3A_282, %get3A_283] : memref<1x8192xf32, #tpu.memory_space<vmem>>, vector<1x128xf32>
    %add3A_285 = vector.broadcast %broadcast_in_dim3A : vector<1024x1xf32> to vector<1024x128xf32>
    %add3A_286 = vector.broadcast %get3A_284 : vector<1x128xf32> to vector<1024x128xf32>
    %add3A_287 = arith.addf %add3A_285, %add3A_286 : vector<1024x128xf32>
    %slice3A_288 = vector.extract_strided_slice %dot_general3A_21 {offsets = [0, 512], sizes = [1024, 128], strides = [1, 1]} : vector<1024x2048xf32> to vector<1024x128xf32>
    %add3A_289 = arith.addf %add3A_287, %slice3A_288 : vector<1024x128xf32>
    %lt3A_290 = arith.cmpf olt, %add3A_289, %select_n3A_278 : vector<1024x128xf32>
    %select_n3A_291 = arith.select %lt3A_290, %add3A_289, %select_n3A_278 : vector<1024x128xi1>, vector<1024x128xf32>
    %jit3A_292 = arith.constant 2.000000e+01 : f32
    %broadcast_in_dim3A_293 = vector.broadcast %jit3A_292 : f32 to vector<1024x128xf32>
    %select_n3A_294 = arith.select %lt3A_290, %broadcast_in_dim3A_293, %select_n3A_281 : vector<1024x128xi1>, vector<1024x128xf32>
    %get3A_295 = arith.constant 0 : index
    %get3A_296 = arith.constant 2688 : index
    %get3A_297 = vector.load %arg7[%get3A_295, %get3A_296] : memref<1x8192xf32, #tpu.memory_space<vmem>>, vector<1x128xf32>
    %add3A_298 = vector.broadcast %broadcast_in_dim3A : vector<1024x1xf32> to vector<1024x128xf32>
    %add3A_299 = vector.broadcast %get3A_297 : vector<1x128xf32> to vector<1024x128xf32>
    %add3A_300 = arith.addf %add3A_298, %add3A_299 : vector<1024x128xf32>
    %slice3A_301 = vector.extract_strided_slice %dot_general3A_21 {offsets = [0, 640], sizes = [1024, 128], strides = [1, 1]} : vector<1024x2048xf32> to vector<1024x128xf32>
    %add3A_302 = arith.addf %add3A_300, %slice3A_301 : vector<1024x128xf32>
    %lt3A_303 = arith.cmpf olt, %add3A_302, %select_n3A_291 : vector<1024x128xf32>
    %select_n3A_304 = arith.select %lt3A_303, %add3A_302, %select_n3A_291 : vector<1024x128xi1>, vector<1024x128xf32>
    %jit3A_305 = arith.constant 2.100000e+01 : f32
    %broadcast_in_dim3A_306 = vector.broadcast %jit3A_305 : f32 to vector<1024x128xf32>
    %select_n3A_307 = arith.select %lt3A_303, %broadcast_in_dim3A_306, %select_n3A_294 : vector<1024x128xi1>, vector<1024x128xf32>
    %get3A_308 = arith.constant 0 : index
    %get3A_309 = arith.constant 2816 : index
    %get3A_310 = vector.load %arg7[%get3A_308, %get3A_309] : memref<1x8192xf32, #tpu.memory_space<vmem>>, vector<1x128xf32>
    %add3A_311 = vector.broadcast %broadcast_in_dim3A : vector<1024x1xf32> to vector<1024x128xf32>
    %add3A_312 = vector.broadcast %get3A_310 : vector<1x128xf32> to vector<1024x128xf32>
    %add3A_313 = arith.addf %add3A_311, %add3A_312 : vector<1024x128xf32>
    %slice3A_314 = vector.extract_strided_slice %dot_general3A_21 {offsets = [0, 768], sizes = [1024, 128], strides = [1, 1]} : vector<1024x2048xf32> to vector<1024x128xf32>
    %add3A_315 = arith.addf %add3A_313, %slice3A_314 : vector<1024x128xf32>
    %lt3A_316 = arith.cmpf olt, %add3A_315, %select_n3A_304 : vector<1024x128xf32>
    %select_n3A_317 = arith.select %lt3A_316, %add3A_315, %select_n3A_304 : vector<1024x128xi1>, vector<1024x128xf32>
    %jit3A_318 = arith.constant 2.200000e+01 : f32
    %broadcast_in_dim3A_319 = vector.broadcast %jit3A_318 : f32 to vector<1024x128xf32>
    %select_n3A_320 = arith.select %lt3A_316, %broadcast_in_dim3A_319, %select_n3A_307 : vector<1024x128xi1>, vector<1024x128xf32>
    %get3A_321 = arith.constant 0 : index
    %get3A_322 = arith.constant 2944 : index
    %get3A_323 = vector.load %arg7[%get3A_321, %get3A_322] : memref<1x8192xf32, #tpu.memory_space<vmem>>, vector<1x128xf32>
    %add3A_324 = vector.broadcast %broadcast_in_dim3A : vector<1024x1xf32> to vector<1024x128xf32>
    %add3A_325 = vector.broadcast %get3A_323 : vector<1x128xf32> to vector<1024x128xf32>
    %add3A_326 = arith.addf %add3A_324, %add3A_325 : vector<1024x128xf32>
    %slice3A_327 = vector.extract_strided_slice %dot_general3A_21 {offsets = [0, 896], sizes = [1024, 128], strides = [1, 1]} : vector<1024x2048xf32> to vector<1024x128xf32>
    %add3A_328 = arith.addf %add3A_326, %slice3A_327 : vector<1024x128xf32>
    %lt3A_329 = arith.cmpf olt, %add3A_328, %select_n3A_317 : vector<1024x128xf32>
    %select_n3A_330 = arith.select %lt3A_329, %add3A_328, %select_n3A_317 : vector<1024x128xi1>, vector<1024x128xf32>
    %jit3A_331 = arith.constant 2.300000e+01 : f32
    %broadcast_in_dim3A_332 = vector.broadcast %jit3A_331 : f32 to vector<1024x128xf32>
    %select_n3A_333 = arith.select %lt3A_329, %broadcast_in_dim3A_332, %select_n3A_320 : vector<1024x128xi1>, vector<1024x128xf32>
    %get3A_334 = arith.constant 0 : index
    %get3A_335 = arith.constant 3072 : index
    %get3A_336 = vector.load %arg7[%get3A_334, %get3A_335] : memref<1x8192xf32, #tpu.memory_space<vmem>>, vector<1x128xf32>
    %add3A_337 = vector.broadcast %broadcast_in_dim3A : vector<1024x1xf32> to vector<1024x128xf32>
    %add3A_338 = vector.broadcast %get3A_336 : vector<1x128xf32> to vector<1024x128xf32>
    %add3A_339 = arith.addf %add3A_337, %add3A_338 : vector<1024x128xf32>
    %slice3A_340 = vector.extract_strided_slice %dot_general3A_21 {offsets = [0, 1024], sizes = [1024, 128], strides = [1, 1]} : vector<1024x2048xf32> to vector<1024x128xf32>
    %add3A_341 = arith.addf %add3A_339, %slice3A_340 : vector<1024x128xf32>
    %lt3A_342 = arith.cmpf olt, %add3A_341, %select_n3A_330 : vector<1024x128xf32>
    %select_n3A_343 = arith.select %lt3A_342, %add3A_341, %select_n3A_330 : vector<1024x128xi1>, vector<1024x128xf32>
    %jit3A_344 = arith.constant 2.400000e+01 : f32
    %broadcast_in_dim3A_345 = vector.broadcast %jit3A_344 : f32 to vector<1024x128xf32>
    %select_n3A_346 = arith.select %lt3A_342, %broadcast_in_dim3A_345, %select_n3A_333 : vector<1024x128xi1>, vector<1024x128xf32>
    %get3A_347 = arith.constant 0 : index
    %get3A_348 = arith.constant 3200 : index
    %get3A_349 = vector.load %arg7[%get3A_347, %get3A_348] : memref<1x8192xf32, #tpu.memory_space<vmem>>, vector<1x128xf32>
    %add3A_350 = vector.broadcast %broadcast_in_dim3A : vector<1024x1xf32> to vector<1024x128xf32>
    %add3A_351 = vector.broadcast %get3A_349 : vector<1x128xf32> to vector<1024x128xf32>
    %add3A_352 = arith.addf %add3A_350, %add3A_351 : vector<1024x128xf32>
    %slice3A_353 = vector.extract_strided_slice %dot_general3A_21 {offsets = [0, 1152], sizes = [1024, 128], strides = [1, 1]} : vector<1024x2048xf32> to vector<1024x128xf32>
    %add3A_354 = arith.addf %add3A_352, %slice3A_353 : vector<1024x128xf32>
    %lt3A_355 = arith.cmpf olt, %add3A_354, %select_n3A_343 : vector<1024x128xf32>
    %select_n3A_356 = arith.select %lt3A_355, %add3A_354, %select_n3A_343 : vector<1024x128xi1>, vector<1024x128xf32>
    %jit3A_357 = arith.constant 2.500000e+01 : f32
    %broadcast_in_dim3A_358 = vector.broadcast %jit3A_357 : f32 to vector<1024x128xf32>
    %select_n3A_359 = arith.select %lt3A_355, %broadcast_in_dim3A_358, %select_n3A_346 : vector<1024x128xi1>, vector<1024x128xf32>
    %get3A_360 = arith.constant 0 : index
    %get3A_361 = arith.constant 3328 : index
    %get3A_362 = vector.load %arg7[%get3A_360, %get3A_361] : memref<1x8192xf32, #tpu.memory_space<vmem>>, vector<1x128xf32>
    %add3A_363 = vector.broadcast %broadcast_in_dim3A : vector<1024x1xf32> to vector<1024x128xf32>
    %add3A_364 = vector.broadcast %get3A_362 : vector<1x128xf32> to vector<1024x128xf32>
    %add3A_365 = arith.addf %add3A_363, %add3A_364 : vector<1024x128xf32>
    %slice3A_366 = vector.extract_strided_slice %dot_general3A_21 {offsets = [0, 1280], sizes = [1024, 128], strides = [1, 1]} : vector<1024x2048xf32> to vector<1024x128xf32>
    %add3A_367 = arith.addf %add3A_365, %slice3A_366 : vector<1024x128xf32>
    %lt3A_368 = arith.cmpf olt, %add3A_367, %select_n3A_356 : vector<1024x128xf32>
    %select_n3A_369 = arith.select %lt3A_368, %add3A_367, %select_n3A_356 : vector<1024x128xi1>, vector<1024x128xf32>
    %jit3A_370 = arith.constant 2.600000e+01 : f32
    %broadcast_in_dim3A_371 = vector.broadcast %jit3A_370 : f32 to vector<1024x128xf32>
    %select_n3A_372 = arith.select %lt3A_368, %broadcast_in_dim3A_371, %select_n3A_359 : vector<1024x128xi1>, vector<1024x128xf32>
    %get3A_373 = arith.constant 0 : index
    %get3A_374 = arith.constant 3456 : index
    %get3A_375 = vector.load %arg7[%get3A_373, %get3A_374] : memref<1x8192xf32, #tpu.memory_space<vmem>>, vector<1x128xf32>
    %add3A_376 = vector.broadcast %broadcast_in_dim3A : vector<1024x1xf32> to vector<1024x128xf32>
    %add3A_377 = vector.broadcast %get3A_375 : vector<1x128xf32> to vector<1024x128xf32>
    %add3A_378 = arith.addf %add3A_376, %add3A_377 : vector<1024x128xf32>
    %slice3A_379 = vector.extract_strided_slice %dot_general3A_21 {offsets = [0, 1408], sizes = [1024, 128], strides = [1, 1]} : vector<1024x2048xf32> to vector<1024x128xf32>
    %add3A_380 = arith.addf %add3A_378, %slice3A_379 : vector<1024x128xf32>
    %lt3A_381 = arith.cmpf olt, %add3A_380, %select_n3A_369 : vector<1024x128xf32>
    %select_n3A_382 = arith.select %lt3A_381, %add3A_380, %select_n3A_369 : vector<1024x128xi1>, vector<1024x128xf32>
    %jit3A_383 = arith.constant 2.700000e+01 : f32
    %broadcast_in_dim3A_384 = vector.broadcast %jit3A_383 : f32 to vector<1024x128xf32>
    %select_n3A_385 = arith.select %lt3A_381, %broadcast_in_dim3A_384, %select_n3A_372 : vector<1024x128xi1>, vector<1024x128xf32>
    %get3A_386 = arith.constant 0 : index
    %get3A_387 = arith.constant 3584 : index
    %get3A_388 = vector.load %arg7[%get3A_386, %get3A_387] : memref<1x8192xf32, #tpu.memory_space<vmem>>, vector<1x128xf32>
    %add3A_389 = vector.broadcast %broadcast_in_dim3A : vector<1024x1xf32> to vector<1024x128xf32>
    %add3A_390 = vector.broadcast %get3A_388 : vector<1x128xf32> to vector<1024x128xf32>
    %add3A_391 = arith.addf %add3A_389, %add3A_390 : vector<1024x128xf32>
    %slice3A_392 = vector.extract_strided_slice %dot_general3A_21 {offsets = [0, 1536], sizes = [1024, 128], strides = [1, 1]} : vector<1024x2048xf32> to vector<1024x128xf32>
    %add3A_393 = arith.addf %add3A_391, %slice3A_392 : vector<1024x128xf32>
    %lt3A_394 = arith.cmpf olt, %add3A_393, %select_n3A_382 : vector<1024x128xf32>
    %select_n3A_395 = arith.select %lt3A_394, %add3A_393, %select_n3A_382 : vector<1024x128xi1>, vector<1024x128xf32>
    %jit3A_396 = arith.constant 2.800000e+01 : f32
    %broadcast_in_dim3A_397 = vector.broadcast %jit3A_396 : f32 to vector<1024x128xf32>
    %select_n3A_398 = arith.select %lt3A_394, %broadcast_in_dim3A_397, %select_n3A_385 : vector<1024x128xi1>, vector<1024x128xf32>
    %get3A_399 = arith.constant 0 : index
    %get3A_400 = arith.constant 3712 : index
    %get3A_401 = vector.load %arg7[%get3A_399, %get3A_400] : memref<1x8192xf32, #tpu.memory_space<vmem>>, vector<1x128xf32>
    %add3A_402 = vector.broadcast %broadcast_in_dim3A : vector<1024x1xf32> to vector<1024x128xf32>
    %add3A_403 = vector.broadcast %get3A_401 : vector<1x128xf32> to vector<1024x128xf32>
    %add3A_404 = arith.addf %add3A_402, %add3A_403 : vector<1024x128xf32>
    %slice3A_405 = vector.extract_strided_slice %dot_general3A_21 {offsets = [0, 1664], sizes = [1024, 128], strides = [1, 1]} : vector<1024x2048xf32> to vector<1024x128xf32>
    %add3A_406 = arith.addf %add3A_404, %slice3A_405 : vector<1024x128xf32>
    %lt3A_407 = arith.cmpf olt, %add3A_406, %select_n3A_395 : vector<1024x128xf32>
    %select_n3A_408 = arith.select %lt3A_407, %add3A_406, %select_n3A_395 : vector<1024x128xi1>, vector<1024x128xf32>
    %jit3A_409 = arith.constant 2.900000e+01 : f32
    %broadcast_in_dim3A_410 = vector.broadcast %jit3A_409 : f32 to vector<1024x128xf32>
    %select_n3A_411 = arith.select %lt3A_407, %broadcast_in_dim3A_410, %select_n3A_398 : vector<1024x128xi1>, vector<1024x128xf32>
    %get3A_412 = arith.constant 0 : index
    %get3A_413 = arith.constant 3840 : index
    %get3A_414 = vector.load %arg7[%get3A_412, %get3A_413] : memref<1x8192xf32, #tpu.memory_space<vmem>>, vector<1x128xf32>
    %add3A_415 = vector.broadcast %broadcast_in_dim3A : vector<1024x1xf32> to vector<1024x128xf32>
    %add3A_416 = vector.broadcast %get3A_414 : vector<1x128xf32> to vector<1024x128xf32>
    %add3A_417 = arith.addf %add3A_415, %add3A_416 : vector<1024x128xf32>
    %slice3A_418 = vector.extract_strided_slice %dot_general3A_21 {offsets = [0, 1792], sizes = [1024, 128], strides = [1, 1]} : vector<1024x2048xf32> to vector<1024x128xf32>
    %add3A_419 = arith.addf %add3A_417, %slice3A_418 : vector<1024x128xf32>
    %lt3A_420 = arith.cmpf olt, %add3A_419, %select_n3A_408 : vector<1024x128xf32>
    %select_n3A_421 = arith.select %lt3A_420, %add3A_419, %select_n3A_408 : vector<1024x128xi1>, vector<1024x128xf32>
    %jit3A_422 = arith.constant 3.000000e+01 : f32
    %broadcast_in_dim3A_423 = vector.broadcast %jit3A_422 : f32 to vector<1024x128xf32>
    %select_n3A_424 = arith.select %lt3A_420, %broadcast_in_dim3A_423, %select_n3A_411 : vector<1024x128xi1>, vector<1024x128xf32>
    %get3A_425 = arith.constant 0 : index
    %get3A_426 = arith.constant 3968 : index
    %get3A_427 = vector.load %arg7[%get3A_425, %get3A_426] : memref<1x8192xf32, #tpu.memory_space<vmem>>, vector<1x128xf32>
    %add3A_428 = vector.broadcast %broadcast_in_dim3A : vector<1024x1xf32> to vector<1024x128xf32>
    %add3A_429 = vector.broadcast %get3A_427 : vector<1x128xf32> to vector<1024x128xf32>
    %add3A_430 = arith.addf %add3A_428, %add3A_429 : vector<1024x128xf32>
    %slice3A_431 = vector.extract_strided_slice %dot_general3A_21 {offsets = [0, 1920], sizes = [1024, 128], strides = [1, 1]} : vector<1024x2048xf32> to vector<1024x128xf32>
    %add3A_432 = arith.addf %add3A_430, %slice3A_431 : vector<1024x128xf32>
    %lt3A_433 = arith.cmpf olt, %add3A_432, %select_n3A_421 : vector<1024x128xf32>
    %select_n3A_434 = arith.select %lt3A_433, %add3A_432, %select_n3A_421 : vector<1024x128xi1>, vector<1024x128xf32>
    %jit3A_435 = arith.constant 3.100000e+01 : f32
    %broadcast_in_dim3A_436 = vector.broadcast %jit3A_435 : f32 to vector<1024x128xf32>
    %select_n3A_437 = arith.select %lt3A_433, %broadcast_in_dim3A_436, %select_n3A_424 : vector<1024x128xi1>, vector<1024x128xf32>
    %get3A_438 = arith.constant 6144 : index
    %get3A_439 = arith.constant 0 : index
    %get3A_440 = vector.load %arg6[%get3A_438, %get3A_439] : memref<8192x256xf32, #tpu.memory_space<vmem>>, vector<2048x256xf32>
    %dot_general3A_441 = arith.constant dense<0.000000e+00> : vector<1024x2048xf32>
    %dot_general3A_442 = tpu.matmul %mul3A_7, %get3A_440, %dot_general3A_441 {dimension_numbers = #tpu.dot_dimension_numbers<[1], [1], [0], [0], [0, 0, 1, 0], [], []>, transpose_lhs_hint = false} : vector<1024x256xf32>, vector<2048x256xf32>, vector<1024x2048xf32> -> vector<1024x2048xf32>
    %get3A_443 = arith.constant 0 : index
    %get3A_444 = arith.constant 4096 : index
    %get3A_445 = vector.load %arg7[%get3A_443, %get3A_444] : memref<1x8192xf32, #tpu.memory_space<vmem>>, vector<1x128xf32>
    %add3A_446 = vector.broadcast %broadcast_in_dim3A : vector<1024x1xf32> to vector<1024x128xf32>
    %add3A_447 = vector.broadcast %get3A_445 : vector<1x128xf32> to vector<1024x128xf32>
    %add3A_448 = arith.addf %add3A_446, %add3A_447 : vector<1024x128xf32>
    %slice3A_449 = vector.extract_strided_slice %dot_general3A_229 {offsets = [0, 0], sizes = [1024, 128], strides = [1, 1]} : vector<1024x2048xf32> to vector<1024x128xf32>
    %add3A_450 = arith.addf %add3A_448, %slice3A_449 : vector<1024x128xf32>
    %lt3A_451 = arith.cmpf olt, %add3A_450, %select_n3A_434 : vector<1024x128xf32>
    %select_n3A_452 = arith.select %lt3A_451, %add3A_450, %select_n3A_434 : vector<1024x128xi1>, vector<1024x128xf32>
    %jit3A_453 = arith.constant 3.200000e+01 : f32
    %broadcast_in_dim3A_454 = vector.broadcast %jit3A_453 : f32 to vector<1024x128xf32>
    %select_n3A_455 = arith.select %lt3A_451, %broadcast_in_dim3A_454, %select_n3A_437 : vector<1024x128xi1>, vector<1024x128xf32>
    %get3A_456 = arith.constant 0 : index
    %get3A_457 = arith.constant 4224 : index
    %get3A_458 = vector.load %arg7[%get3A_456, %get3A_457] : memref<1x8192xf32, #tpu.memory_space<vmem>>, vector<1x128xf32>
    %add3A_459 = vector.broadcast %broadcast_in_dim3A : vector<1024x1xf32> to vector<1024x128xf32>
    %add3A_460 = vector.broadcast %get3A_458 : vector<1x128xf32> to vector<1024x128xf32>
    %add3A_461 = arith.addf %add3A_459, %add3A_460 : vector<1024x128xf32>
    %slice3A_462 = vector.extract_strided_slice %dot_general3A_229 {offsets = [0, 128], sizes = [1024, 128], strides = [1, 1]} : vector<1024x2048xf32> to vector<1024x128xf32>
    %add3A_463 = arith.addf %add3A_461, %slice3A_462 : vector<1024x128xf32>
    %lt3A_464 = arith.cmpf olt, %add3A_463, %select_n3A_452 : vector<1024x128xf32>
    %select_n3A_465 = arith.select %lt3A_464, %add3A_463, %select_n3A_452 : vector<1024x128xi1>, vector<1024x128xf32>
    %jit3A_466 = arith.constant 3.300000e+01 : f32
    %broadcast_in_dim3A_467 = vector.broadcast %jit3A_466 : f32 to vector<1024x128xf32>
    %select_n3A_468 = arith.select %lt3A_464, %broadcast_in_dim3A_467, %select_n3A_455 : vector<1024x128xi1>, vector<1024x128xf32>
    %get3A_469 = arith.constant 0 : index
    %get3A_470 = arith.constant 4352 : index
    %get3A_471 = vector.load %arg7[%get3A_469, %get3A_470] : memref<1x8192xf32, #tpu.memory_space<vmem>>, vector<1x128xf32>
    %add3A_472 = vector.broadcast %broadcast_in_dim3A : vector<1024x1xf32> to vector<1024x128xf32>
    %add3A_473 = vector.broadcast %get3A_471 : vector<1x128xf32> to vector<1024x128xf32>
    %add3A_474 = arith.addf %add3A_472, %add3A_473 : vector<1024x128xf32>
    %slice3A_475 = vector.extract_strided_slice %dot_general3A_229 {offsets = [0, 256], sizes = [1024, 128], strides = [1, 1]} : vector<1024x2048xf32> to vector<1024x128xf32>
    %add3A_476 = arith.addf %add3A_474, %slice3A_475 : vector<1024x128xf32>
    %lt3A_477 = arith.cmpf olt, %add3A_476, %select_n3A_465 : vector<1024x128xf32>
    %select_n3A_478 = arith.select %lt3A_477, %add3A_476, %select_n3A_465 : vector<1024x128xi1>, vector<1024x128xf32>
    %jit3A_479 = arith.constant 3.400000e+01 : f32
    %broadcast_in_dim3A_480 = vector.broadcast %jit3A_479 : f32 to vector<1024x128xf32>
    %select_n3A_481 = arith.select %lt3A_477, %broadcast_in_dim3A_480, %select_n3A_468 : vector<1024x128xi1>, vector<1024x128xf32>
    %get3A_482 = arith.constant 0 : index
    %get3A_483 = arith.constant 4480 : index
    %get3A_484 = vector.load %arg7[%get3A_482, %get3A_483] : memref<1x8192xf32, #tpu.memory_space<vmem>>, vector<1x128xf32>
    %add3A_485 = vector.broadcast %broadcast_in_dim3A : vector<1024x1xf32> to vector<1024x128xf32>
    %add3A_486 = vector.broadcast %get3A_484 : vector<1x128xf32> to vector<1024x128xf32>
    %add3A_487 = arith.addf %add3A_485, %add3A_486 : vector<1024x128xf32>
    %slice3A_488 = vector.extract_strided_slice %dot_general3A_229 {offsets = [0, 384], sizes = [1024, 128], strides = [1, 1]} : vector<1024x2048xf32> to vector<1024x128xf32>
    %add3A_489 = arith.addf %add3A_487, %slice3A_488 : vector<1024x128xf32>
    %lt3A_490 = arith.cmpf olt, %add3A_489, %select_n3A_478 : vector<1024x128xf32>
    %select_n3A_491 = arith.select %lt3A_490, %add3A_489, %select_n3A_478 : vector<1024x128xi1>, vector<1024x128xf32>
    %jit3A_492 = arith.constant 3.500000e+01 : f32
    %broadcast_in_dim3A_493 = vector.broadcast %jit3A_492 : f32 to vector<1024x128xf32>
    %select_n3A_494 = arith.select %lt3A_490, %broadcast_in_dim3A_493, %select_n3A_481 : vector<1024x128xi1>, vector<1024x128xf32>
    %get3A_495 = arith.constant 0 : index
    %get3A_496 = arith.constant 4608 : index
    %get3A_497 = vector.load %arg7[%get3A_495, %get3A_496] : memref<1x8192xf32, #tpu.memory_space<vmem>>, vector<1x128xf32>
    %add3A_498 = vector.broadcast %broadcast_in_dim3A : vector<1024x1xf32> to vector<1024x128xf32>
    %add3A_499 = vector.broadcast %get3A_497 : vector<1x128xf32> to vector<1024x128xf32>
    %add3A_500 = arith.addf %add3A_498, %add3A_499 : vector<1024x128xf32>
    %slice3A_501 = vector.extract_strided_slice %dot_general3A_229 {offsets = [0, 512], sizes = [1024, 128], strides = [1, 1]} : vector<1024x2048xf32> to vector<1024x128xf32>
    %add3A_502 = arith.addf %add3A_500, %slice3A_501 : vector<1024x128xf32>
    %lt3A_503 = arith.cmpf olt, %add3A_502, %select_n3A_491 : vector<1024x128xf32>
    %select_n3A_504 = arith.select %lt3A_503, %add3A_502, %select_n3A_491 : vector<1024x128xi1>, vector<1024x128xf32>
    %jit3A_505 = arith.constant 3.600000e+01 : f32
    %broadcast_in_dim3A_506 = vector.broadcast %jit3A_505 : f32 to vector<1024x128xf32>
    %select_n3A_507 = arith.select %lt3A_503, %broadcast_in_dim3A_506, %select_n3A_494 : vector<1024x128xi1>, vector<1024x128xf32>
    %get3A_508 = arith.constant 0 : index
    %get3A_509 = arith.constant 4736 : index
    %get3A_510 = vector.load %arg7[%get3A_508, %get3A_509] : memref<1x8192xf32, #tpu.memory_space<vmem>>, vector<1x128xf32>
    %add3A_511 = vector.broadcast %broadcast_in_dim3A : vector<1024x1xf32> to vector<1024x128xf32>
    %add3A_512 = vector.broadcast %get3A_510 : vector<1x128xf32> to vector<1024x128xf32>
    %add3A_513 = arith.addf %add3A_511, %add3A_512 : vector<1024x128xf32>
    %slice3A_514 = vector.extract_strided_slice %dot_general3A_229 {offsets = [0, 640], sizes = [1024, 128], strides = [1, 1]} : vector<1024x2048xf32> to vector<1024x128xf32>
    %add3A_515 = arith.addf %add3A_513, %slice3A_514 : vector<1024x128xf32>
    %lt3A_516 = arith.cmpf olt, %add3A_515, %select_n3A_504 : vector<1024x128xf32>
    %select_n3A_517 = arith.select %lt3A_516, %add3A_515, %select_n3A_504 : vector<1024x128xi1>, vector<1024x128xf32>
    %jit3A_518 = arith.constant 3.700000e+01 : f32
    %broadcast_in_dim3A_519 = vector.broadcast %jit3A_518 : f32 to vector<1024x128xf32>
    %select_n3A_520 = arith.select %lt3A_516, %broadcast_in_dim3A_519, %select_n3A_507 : vector<1024x128xi1>, vector<1024x128xf32>
    %get3A_521 = arith.constant 0 : index
    %get3A_522 = arith.constant 4864 : index
    %get3A_523 = vector.load %arg7[%get3A_521, %get3A_522] : memref<1x8192xf32, #tpu.memory_space<vmem>>, vector<1x128xf32>
    %add3A_524 = vector.broadcast %broadcast_in_dim3A : vector<1024x1xf32> to vector<1024x128xf32>
    %add3A_525 = vector.broadcast %get3A_523 : vector<1x128xf32> to vector<1024x128xf32>
    %add3A_526 = arith.addf %add3A_524, %add3A_525 : vector<1024x128xf32>
    %slice3A_527 = vector.extract_strided_slice %dot_general3A_229 {offsets = [0, 768], sizes = [1024, 128], strides = [1, 1]} : vector<1024x2048xf32> to vector<1024x128xf32>
    %add3A_528 = arith.addf %add3A_526, %slice3A_527 : vector<1024x128xf32>
    %lt3A_529 = arith.cmpf olt, %add3A_528, %select_n3A_517 : vector<1024x128xf32>
    %select_n3A_530 = arith.select %lt3A_529, %add3A_528, %select_n3A_517 : vector<1024x128xi1>, vector<1024x128xf32>
    %jit3A_531 = arith.constant 3.800000e+01 : f32
    %broadcast_in_dim3A_532 = vector.broadcast %jit3A_531 : f32 to vector<1024x128xf32>
    %select_n3A_533 = arith.select %lt3A_529, %broadcast_in_dim3A_532, %select_n3A_520 : vector<1024x128xi1>, vector<1024x128xf32>
    %get3A_534 = arith.constant 0 : index
    %get3A_535 = arith.constant 4992 : index
    %get3A_536 = vector.load %arg7[%get3A_534, %get3A_535] : memref<1x8192xf32, #tpu.memory_space<vmem>>, vector<1x128xf32>
    %add3A_537 = vector.broadcast %broadcast_in_dim3A : vector<1024x1xf32> to vector<1024x128xf32>
    %add3A_538 = vector.broadcast %get3A_536 : vector<1x128xf32> to vector<1024x128xf32>
    %add3A_539 = arith.addf %add3A_537, %add3A_538 : vector<1024x128xf32>
    %slice3A_540 = vector.extract_strided_slice %dot_general3A_229 {offsets = [0, 896], sizes = [1024, 128], strides = [1, 1]} : vector<1024x2048xf32> to vector<1024x128xf32>
    %add3A_541 = arith.addf %add3A_539, %slice3A_540 : vector<1024x128xf32>
    %lt3A_542 = arith.cmpf olt, %add3A_541, %select_n3A_530 : vector<1024x128xf32>
    %select_n3A_543 = arith.select %lt3A_542, %add3A_541, %select_n3A_530 : vector<1024x128xi1>, vector<1024x128xf32>
    %jit3A_544 = arith.constant 3.900000e+01 : f32
    %broadcast_in_dim3A_545 = vector.broadcast %jit3A_544 : f32 to vector<1024x128xf32>
    %select_n3A_546 = arith.select %lt3A_542, %broadcast_in_dim3A_545, %select_n3A_533 : vector<1024x128xi1>, vector<1024x128xf32>
    %get3A_547 = arith.constant 0 : index
    %get3A_548 = arith.constant 5120 : index
    %get3A_549 = vector.load %arg7[%get3A_547, %get3A_548] : memref<1x8192xf32, #tpu.memory_space<vmem>>, vector<1x128xf32>
    %add3A_550 = vector.broadcast %broadcast_in_dim3A : vector<1024x1xf32> to vector<1024x128xf32>
    %add3A_551 = vector.broadcast %get3A_549 : vector<1x128xf32> to vector<1024x128xf32>
    %add3A_552 = arith.addf %add3A_550, %add3A_551 : vector<1024x128xf32>
    %slice3A_553 = vector.extract_strided_slice %dot_general3A_229 {offsets = [0, 1024], sizes = [1024, 128], strides = [1, 1]} : vector<1024x2048xf32> to vector<1024x128xf32>
    %add3A_554 = arith.addf %add3A_552, %slice3A_553 : vector<1024x128xf32>
    %lt3A_555 = arith.cmpf olt, %add3A_554, %select_n3A_543 : vector<1024x128xf32>
    %select_n3A_556 = arith.select %lt3A_555, %add3A_554, %select_n3A_543 : vector<1024x128xi1>, vector<1024x128xf32>
    %jit3A_557 = arith.constant 4.000000e+01 : f32
    %broadcast_in_dim3A_558 = vector.broadcast %jit3A_557 : f32 to vector<1024x128xf32>
    %select_n3A_559 = arith.select %lt3A_555, %broadcast_in_dim3A_558, %select_n3A_546 : vector<1024x128xi1>, vector<1024x128xf32>
    %get3A_560 = arith.constant 0 : index
    %get3A_561 = arith.constant 5248 : index
    %get3A_562 = vector.load %arg7[%get3A_560, %get3A_561] : memref<1x8192xf32, #tpu.memory_space<vmem>>, vector<1x128xf32>
    %add3A_563 = vector.broadcast %broadcast_in_dim3A : vector<1024x1xf32> to vector<1024x128xf32>
    %add3A_564 = vector.broadcast %get3A_562 : vector<1x128xf32> to vector<1024x128xf32>
    %add3A_565 = arith.addf %add3A_563, %add3A_564 : vector<1024x128xf32>
    %slice3A_566 = vector.extract_strided_slice %dot_general3A_229 {offsets = [0, 1152], sizes = [1024, 128], strides = [1, 1]} : vector<1024x2048xf32> to vector<1024x128xf32>
    %add3A_567 = arith.addf %add3A_565, %slice3A_566 : vector<1024x128xf32>
    %lt3A_568 = arith.cmpf olt, %add3A_567, %select_n3A_556 : vector<1024x128xf32>
    %select_n3A_569 = arith.select %lt3A_568, %add3A_567, %select_n3A_556 : vector<1024x128xi1>, vector<1024x128xf32>
    %jit3A_570 = arith.constant 4.100000e+01 : f32
    %broadcast_in_dim3A_571 = vector.broadcast %jit3A_570 : f32 to vector<1024x128xf32>
    %select_n3A_572 = arith.select %lt3A_568, %broadcast_in_dim3A_571, %select_n3A_559 : vector<1024x128xi1>, vector<1024x128xf32>
    %get3A_573 = arith.constant 0 : index
    %get3A_574 = arith.constant 5376 : index
    %get3A_575 = vector.load %arg7[%get3A_573, %get3A_574] : memref<1x8192xf32, #tpu.memory_space<vmem>>, vector<1x128xf32>
    %add3A_576 = vector.broadcast %broadcast_in_dim3A : vector<1024x1xf32> to vector<1024x128xf32>
    %add3A_577 = vector.broadcast %get3A_575 : vector<1x128xf32> to vector<1024x128xf32>
    %add3A_578 = arith.addf %add3A_576, %add3A_577 : vector<1024x128xf32>
    %slice3A_579 = vector.extract_strided_slice %dot_general3A_229 {offsets = [0, 1280], sizes = [1024, 128], strides = [1, 1]} : vector<1024x2048xf32> to vector<1024x128xf32>
    %add3A_580 = arith.addf %add3A_578, %slice3A_579 : vector<1024x128xf32>
    %lt3A_581 = arith.cmpf olt, %add3A_580, %select_n3A_569 : vector<1024x128xf32>
    %select_n3A_582 = arith.select %lt3A_581, %add3A_580, %select_n3A_569 : vector<1024x128xi1>, vector<1024x128xf32>
    %jit3A_583 = arith.constant 4.200000e+01 : f32
    %broadcast_in_dim3A_584 = vector.broadcast %jit3A_583 : f32 to vector<1024x128xf32>
    %select_n3A_585 = arith.select %lt3A_581, %broadcast_in_dim3A_584, %select_n3A_572 : vector<1024x128xi1>, vector<1024x128xf32>
    %get3A_586 = arith.constant 0 : index
    %get3A_587 = arith.constant 5504 : index
    %get3A_588 = vector.load %arg7[%get3A_586, %get3A_587] : memref<1x8192xf32, #tpu.memory_space<vmem>>, vector<1x128xf32>
    %add3A_589 = vector.broadcast %broadcast_in_dim3A : vector<1024x1xf32> to vector<1024x128xf32>
    %add3A_590 = vector.broadcast %get3A_588 : vector<1x128xf32> to vector<1024x128xf32>
    %add3A_591 = arith.addf %add3A_589, %add3A_590 : vector<1024x128xf32>
    %slice3A_592 = vector.extract_strided_slice %dot_general3A_229 {offsets = [0, 1408], sizes = [1024, 128], strides = [1, 1]} : vector<1024x2048xf32> to vector<1024x128xf32>
    %add3A_593 = arith.addf %add3A_591, %slice3A_592 : vector<1024x128xf32>
    %lt3A_594 = arith.cmpf olt, %add3A_593, %select_n3A_582 : vector<1024x128xf32>
    %select_n3A_595 = arith.select %lt3A_594, %add3A_593, %select_n3A_582 : vector<1024x128xi1>, vector<1024x128xf32>
    %jit3A_596 = arith.constant 4.300000e+01 : f32
    %broadcast_in_dim3A_597 = vector.broadcast %jit3A_596 : f32 to vector<1024x128xf32>
    %select_n3A_598 = arith.select %lt3A_594, %broadcast_in_dim3A_597, %select_n3A_585 : vector<1024x128xi1>, vector<1024x128xf32>
    %get3A_599 = arith.constant 0 : index
    %get3A_600 = arith.constant 5632 : index
    %get3A_601 = vector.load %arg7[%get3A_599, %get3A_600] : memref<1x8192xf32, #tpu.memory_space<vmem>>, vector<1x128xf32>
    %add3A_602 = vector.broadcast %broadcast_in_dim3A : vector<1024x1xf32> to vector<1024x128xf32>
    %add3A_603 = vector.broadcast %get3A_601 : vector<1x128xf32> to vector<1024x128xf32>
    %add3A_604 = arith.addf %add3A_602, %add3A_603 : vector<1024x128xf32>
    %slice3A_605 = vector.extract_strided_slice %dot_general3A_229 {offsets = [0, 1536], sizes = [1024, 128], strides = [1, 1]} : vector<1024x2048xf32> to vector<1024x128xf32>
    %add3A_606 = arith.addf %add3A_604, %slice3A_605 : vector<1024x128xf32>
    %lt3A_607 = arith.cmpf olt, %add3A_606, %select_n3A_595 : vector<1024x128xf32>
    %select_n3A_608 = arith.select %lt3A_607, %add3A_606, %select_n3A_595 : vector<1024x128xi1>, vector<1024x128xf32>
    %jit3A_609 = arith.constant 4.400000e+01 : f32
    %broadcast_in_dim3A_610 = vector.broadcast %jit3A_609 : f32 to vector<1024x128xf32>
    %select_n3A_611 = arith.select %lt3A_607, %broadcast_in_dim3A_610, %select_n3A_598 : vector<1024x128xi1>, vector<1024x128xf32>
    %get3A_612 = arith.constant 0 : index
    %get3A_613 = arith.constant 5760 : index
    %get3A_614 = vector.load %arg7[%get3A_612, %get3A_613] : memref<1x8192xf32, #tpu.memory_space<vmem>>, vector<1x128xf32>
    %add3A_615 = vector.broadcast %broadcast_in_dim3A : vector<1024x1xf32> to vector<1024x128xf32>
    %add3A_616 = vector.broadcast %get3A_614 : vector<1x128xf32> to vector<1024x128xf32>
    %add3A_617 = arith.addf %add3A_615, %add3A_616 : vector<1024x128xf32>
    %slice3A_618 = vector.extract_strided_slice %dot_general3A_229 {offsets = [0, 1664], sizes = [1024, 128], strides = [1, 1]} : vector<1024x2048xf32> to vector<1024x128xf32>
    %add3A_619 = arith.addf %add3A_617, %slice3A_618 : vector<1024x128xf32>
    %lt3A_620 = arith.cmpf olt, %add3A_619, %select_n3A_608 : vector<1024x128xf32>
    %select_n3A_621 = arith.select %lt3A_620, %add3A_619, %select_n3A_608 : vector<1024x128xi1>, vector<1024x128xf32>
    %jit3A_622 = arith.constant 4.500000e+01 : f32
    %broadcast_in_dim3A_623 = vector.broadcast %jit3A_622 : f32 to vector<1024x128xf32>
    %select_n3A_624 = arith.select %lt3A_620, %broadcast_in_dim3A_623, %select_n3A_611 : vector<1024x128xi1>, vector<1024x128xf32>
    %get3A_625 = arith.constant 0 : index
    %get3A_626 = arith.constant 5888 : index
    %get3A_627 = vector.load %arg7[%get3A_625, %get3A_626] : memref<1x8192xf32, #tpu.memory_space<vmem>>, vector<1x128xf32>
    %add3A_628 = vector.broadcast %broadcast_in_dim3A : vector<1024x1xf32> to vector<1024x128xf32>
    %add3A_629 = vector.broadcast %get3A_627 : vector<1x128xf32> to vector<1024x128xf32>
    %add3A_630 = arith.addf %add3A_628, %add3A_629 : vector<1024x128xf32>
    %slice3A_631 = vector.extract_strided_slice %dot_general3A_229 {offsets = [0, 1792], sizes = [1024, 128], strides = [1, 1]} : vector<1024x2048xf32> to vector<1024x128xf32>
    %add3A_632 = arith.addf %add3A_630, %slice3A_631 : vector<1024x128xf32>
    %lt3A_633 = arith.cmpf olt, %add3A_632, %select_n3A_621 : vector<1024x128xf32>
    %select_n3A_634 = arith.select %lt3A_633, %add3A_632, %select_n3A_621 : vector<1024x128xi1>, vector<1024x128xf32>
    %jit3A_635 = arith.constant 4.600000e+01 : f32
    %broadcast_in_dim3A_636 = vector.broadcast %jit3A_635 : f32 to vector<1024x128xf32>
    %select_n3A_637 = arith.select %lt3A_633, %broadcast_in_dim3A_636, %select_n3A_624 : vector<1024x128xi1>, vector<1024x128xf32>
    %get3A_638 = arith.constant 0 : index
    %get3A_639 = arith.constant 6016 : index
    %get3A_640 = vector.load %arg7[%get3A_638, %get3A_639] : memref<1x8192xf32, #tpu.memory_space<vmem>>, vector<1x128xf32>
    %add3A_641 = vector.broadcast %broadcast_in_dim3A : vector<1024x1xf32> to vector<1024x128xf32>
    %add3A_642 = vector.broadcast %get3A_640 : vector<1x128xf32> to vector<1024x128xf32>
    %add3A_643 = arith.addf %add3A_641, %add3A_642 : vector<1024x128xf32>
    %slice3A_644 = vector.extract_strided_slice %dot_general3A_229 {offsets = [0, 1920], sizes = [1024, 128], strides = [1, 1]} : vector<1024x2048xf32> to vector<1024x128xf32>
    %add3A_645 = arith.addf %add3A_643, %slice3A_644 : vector<1024x128xf32>
    %lt3A_646 = arith.cmpf olt, %add3A_645, %select_n3A_634 : vector<1024x128xf32>
    %select_n3A_647 = arith.select %lt3A_646, %add3A_645, %select_n3A_634 : vector<1024x128xi1>, vector<1024x128xf32>
    %jit3A_648 = arith.constant 4.700000e+01 : f32
    %broadcast_in_dim3A_649 = vector.broadcast %jit3A_648 : f32 to vector<1024x128xf32>
    %select_n3A_650 = arith.select %lt3A_646, %broadcast_in_dim3A_649, %select_n3A_637 : vector<1024x128xi1>, vector<1024x128xf32>
    %get3A_651 = arith.constant 0 : index
    %get3A_652 = arith.constant 6144 : index
    %get3A_653 = vector.load %arg7[%get3A_651, %get3A_652] : memref<1x8192xf32, #tpu.memory_space<vmem>>, vector<1x128xf32>
    %add3A_654 = vector.broadcast %broadcast_in_dim3A : vector<1024x1xf32> to vector<1024x128xf32>
    %add3A_655 = vector.broadcast %get3A_653 : vector<1x128xf32> to vector<1024x128xf32>
    %add3A_656 = arith.addf %add3A_654, %add3A_655 : vector<1024x128xf32>
    %slice3A_657 = vector.extract_strided_slice %dot_general3A_442 {offsets = [0, 0], sizes = [1024, 128], strides = [1, 1]} : vector<1024x2048xf32> to vector<1024x128xf32>
    %add3A_658 = arith.addf %add3A_656, %slice3A_657 : vector<1024x128xf32>
    %lt3A_659 = arith.cmpf olt, %add3A_658, %select_n3A_647 : vector<1024x128xf32>
    %select_n3A_660 = arith.select %lt3A_659, %add3A_658, %select_n3A_647 : vector<1024x128xi1>, vector<1024x128xf32>
    %jit3A_661 = arith.constant 4.800000e+01 : f32
    %broadcast_in_dim3A_662 = vector.broadcast %jit3A_661 : f32 to vector<1024x128xf32>
    %select_n3A_663 = arith.select %lt3A_659, %broadcast_in_dim3A_662, %select_n3A_650 : vector<1024x128xi1>, vector<1024x128xf32>
    %get3A_664 = arith.constant 0 : index
    %get3A_665 = arith.constant 6272 : index
    %get3A_666 = vector.load %arg7[%get3A_664, %get3A_665] : memref<1x8192xf32, #tpu.memory_space<vmem>>, vector<1x128xf32>
    %add3A_667 = vector.broadcast %broadcast_in_dim3A : vector<1024x1xf32> to vector<1024x128xf32>
    %add3A_668 = vector.broadcast %get3A_666 : vector<1x128xf32> to vector<1024x128xf32>
    %add3A_669 = arith.addf %add3A_667, %add3A_668 : vector<1024x128xf32>
    %slice3A_670 = vector.extract_strided_slice %dot_general3A_442 {offsets = [0, 128], sizes = [1024, 128], strides = [1, 1]} : vector<1024x2048xf32> to vector<1024x128xf32>
    %add3A_671 = arith.addf %add3A_669, %slice3A_670 : vector<1024x128xf32>
    %lt3A_672 = arith.cmpf olt, %add3A_671, %select_n3A_660 : vector<1024x128xf32>
    %select_n3A_673 = arith.select %lt3A_672, %add3A_671, %select_n3A_660 : vector<1024x128xi1>, vector<1024x128xf32>
    %jit3A_674 = arith.constant 4.900000e+01 : f32
    %broadcast_in_dim3A_675 = vector.broadcast %jit3A_674 : f32 to vector<1024x128xf32>
    %select_n3A_676 = arith.select %lt3A_672, %broadcast_in_dim3A_675, %select_n3A_663 : vector<1024x128xi1>, vector<1024x128xf32>
    %get3A_677 = arith.constant 0 : index
    %get3A_678 = arith.constant 6400 : index
    %get3A_679 = vector.load %arg7[%get3A_677, %get3A_678] : memref<1x8192xf32, #tpu.memory_space<vmem>>, vector<1x128xf32>
    %add3A_680 = vector.broadcast %broadcast_in_dim3A : vector<1024x1xf32> to vector<1024x128xf32>
    %add3A_681 = vector.broadcast %get3A_679 : vector<1x128xf32> to vector<1024x128xf32>
    %add3A_682 = arith.addf %add3A_680, %add3A_681 : vector<1024x128xf32>
    %slice3A_683 = vector.extract_strided_slice %dot_general3A_442 {offsets = [0, 256], sizes = [1024, 128], strides = [1, 1]} : vector<1024x2048xf32> to vector<1024x128xf32>
    %add3A_684 = arith.addf %add3A_682, %slice3A_683 : vector<1024x128xf32>
    %lt3A_685 = arith.cmpf olt, %add3A_684, %select_n3A_673 : vector<1024x128xf32>
    %select_n3A_686 = arith.select %lt3A_685, %add3A_684, %select_n3A_673 : vector<1024x128xi1>, vector<1024x128xf32>
    %jit3A_687 = arith.constant 5.000000e+01 : f32
    %broadcast_in_dim3A_688 = vector.broadcast %jit3A_687 : f32 to vector<1024x128xf32>
    %select_n3A_689 = arith.select %lt3A_685, %broadcast_in_dim3A_688, %select_n3A_676 : vector<1024x128xi1>, vector<1024x128xf32>
    %get3A_690 = arith.constant 0 : index
    %get3A_691 = arith.constant 6528 : index
    %get3A_692 = vector.load %arg7[%get3A_690, %get3A_691] : memref<1x8192xf32, #tpu.memory_space<vmem>>, vector<1x128xf32>
    %add3A_693 = vector.broadcast %broadcast_in_dim3A : vector<1024x1xf32> to vector<1024x128xf32>
    %add3A_694 = vector.broadcast %get3A_692 : vector<1x128xf32> to vector<1024x128xf32>
    %add3A_695 = arith.addf %add3A_693, %add3A_694 : vector<1024x128xf32>
    %slice3A_696 = vector.extract_strided_slice %dot_general3A_442 {offsets = [0, 384], sizes = [1024, 128], strides = [1, 1]} : vector<1024x2048xf32> to vector<1024x128xf32>
    %add3A_697 = arith.addf %add3A_695, %slice3A_696 : vector<1024x128xf32>
    %lt3A_698 = arith.cmpf olt, %add3A_697, %select_n3A_686 : vector<1024x128xf32>
    %select_n3A_699 = arith.select %lt3A_698, %add3A_697, %select_n3A_686 : vector<1024x128xi1>, vector<1024x128xf32>
    %jit3A_700 = arith.constant 5.100000e+01 : f32
    %broadcast_in_dim3A_701 = vector.broadcast %jit3A_700 : f32 to vector<1024x128xf32>
    %select_n3A_702 = arith.select %lt3A_698, %broadcast_in_dim3A_701, %select_n3A_689 : vector<1024x128xi1>, vector<1024x128xf32>
    %get3A_703 = arith.constant 0 : index
    %get3A_704 = arith.constant 6656 : index
    %get3A_705 = vector.load %arg7[%get3A_703, %get3A_704] : memref<1x8192xf32, #tpu.memory_space<vmem>>, vector<1x128xf32>
    %add3A_706 = vector.broadcast %broadcast_in_dim3A : vector<1024x1xf32> to vector<1024x128xf32>
    %add3A_707 = vector.broadcast %get3A_705 : vector<1x128xf32> to vector<1024x128xf32>
    %add3A_708 = arith.addf %add3A_706, %add3A_707 : vector<1024x128xf32>
    %slice3A_709 = vector.extract_strided_slice %dot_general3A_442 {offsets = [0, 512], sizes = [1024, 128], strides = [1, 1]} : vector<1024x2048xf32> to vector<1024x128xf32>
    %add3A_710 = arith.addf %add3A_708, %slice3A_709 : vector<1024x128xf32>
    %lt3A_711 = arith.cmpf olt, %add3A_710, %select_n3A_699 : vector<1024x128xf32>
    %select_n3A_712 = arith.select %lt3A_711, %add3A_710, %select_n3A_699 : vector<1024x128xi1>, vector<1024x128xf32>
    %jit3A_713 = arith.constant 5.200000e+01 : f32
    %broadcast_in_dim3A_714 = vector.broadcast %jit3A_713 : f32 to vector<1024x128xf32>
    %select_n3A_715 = arith.select %lt3A_711, %broadcast_in_dim3A_714, %select_n3A_702 : vector<1024x128xi1>, vector<1024x128xf32>
    %get3A_716 = arith.constant 0 : index
    %get3A_717 = arith.constant 6784 : index
    %get3A_718 = vector.load %arg7[%get3A_716, %get3A_717] : memref<1x8192xf32, #tpu.memory_space<vmem>>, vector<1x128xf32>
    %add3A_719 = vector.broadcast %broadcast_in_dim3A : vector<1024x1xf32> to vector<1024x128xf32>
    %add3A_720 = vector.broadcast %get3A_718 : vector<1x128xf32> to vector<1024x128xf32>
    %add3A_721 = arith.addf %add3A_719, %add3A_720 : vector<1024x128xf32>
    %slice3A_722 = vector.extract_strided_slice %dot_general3A_442 {offsets = [0, 640], sizes = [1024, 128], strides = [1, 1]} : vector<1024x2048xf32> to vector<1024x128xf32>
    %add3A_723 = arith.addf %add3A_721, %slice3A_722 : vector<1024x128xf32>
    %lt3A_724 = arith.cmpf olt, %add3A_723, %select_n3A_712 : vector<1024x128xf32>
    %select_n3A_725 = arith.select %lt3A_724, %add3A_723, %select_n3A_712 : vector<1024x128xi1>, vector<1024x128xf32>
    %jit3A_726 = arith.constant 5.300000e+01 : f32
    %broadcast_in_dim3A_727 = vector.broadcast %jit3A_726 : f32 to vector<1024x128xf32>
    %select_n3A_728 = arith.select %lt3A_724, %broadcast_in_dim3A_727, %select_n3A_715 : vector<1024x128xi1>, vector<1024x128xf32>
    %get3A_729 = arith.constant 0 : index
    %get3A_730 = arith.constant 6912 : index
    %get3A_731 = vector.load %arg7[%get3A_729, %get3A_730] : memref<1x8192xf32, #tpu.memory_space<vmem>>, vector<1x128xf32>
    %add3A_732 = vector.broadcast %broadcast_in_dim3A : vector<1024x1xf32> to vector<1024x128xf32>
    %add3A_733 = vector.broadcast %get3A_731 : vector<1x128xf32> to vector<1024x128xf32>
    %add3A_734 = arith.addf %add3A_732, %add3A_733 : vector<1024x128xf32>
    %slice3A_735 = vector.extract_strided_slice %dot_general3A_442 {offsets = [0, 768], sizes = [1024, 128], strides = [1, 1]} : vector<1024x2048xf32> to vector<1024x128xf32>
    %add3A_736 = arith.addf %add3A_734, %slice3A_735 : vector<1024x128xf32>
    %lt3A_737 = arith.cmpf olt, %add3A_736, %select_n3A_725 : vector<1024x128xf32>
    %select_n3A_738 = arith.select %lt3A_737, %add3A_736, %select_n3A_725 : vector<1024x128xi1>, vector<1024x128xf32>
    %jit3A_739 = arith.constant 5.400000e+01 : f32
    %broadcast_in_dim3A_740 = vector.broadcast %jit3A_739 : f32 to vector<1024x128xf32>
    %select_n3A_741 = arith.select %lt3A_737, %broadcast_in_dim3A_740, %select_n3A_728 : vector<1024x128xi1>, vector<1024x128xf32>
    %get3A_742 = arith.constant 0 : index
    %get3A_743 = arith.constant 7040 : index
    %get3A_744 = vector.load %arg7[%get3A_742, %get3A_743] : memref<1x8192xf32, #tpu.memory_space<vmem>>, vector<1x128xf32>
    %add3A_745 = vector.broadcast %broadcast_in_dim3A : vector<1024x1xf32> to vector<1024x128xf32>
    %add3A_746 = vector.broadcast %get3A_744 : vector<1x128xf32> to vector<1024x128xf32>
    %add3A_747 = arith.addf %add3A_745, %add3A_746 : vector<1024x128xf32>
    %slice3A_748 = vector.extract_strided_slice %dot_general3A_442 {offsets = [0, 896], sizes = [1024, 128], strides = [1, 1]} : vector<1024x2048xf32> to vector<1024x128xf32>
    %add3A_749 = arith.addf %add3A_747, %slice3A_748 : vector<1024x128xf32>
    %lt3A_750 = arith.cmpf olt, %add3A_749, %select_n3A_738 : vector<1024x128xf32>
    %select_n3A_751 = arith.select %lt3A_750, %add3A_749, %select_n3A_738 : vector<1024x128xi1>, vector<1024x128xf32>
    %jit3A_752 = arith.constant 5.500000e+01 : f32
    %broadcast_in_dim3A_753 = vector.broadcast %jit3A_752 : f32 to vector<1024x128xf32>
    %select_n3A_754 = arith.select %lt3A_750, %broadcast_in_dim3A_753, %select_n3A_741 : vector<1024x128xi1>, vector<1024x128xf32>
    %get3A_755 = arith.constant 0 : index
    %get3A_756 = arith.constant 7168 : index
    %get3A_757 = vector.load %arg7[%get3A_755, %get3A_756] : memref<1x8192xf32, #tpu.memory_space<vmem>>, vector<1x128xf32>
    %add3A_758 = vector.broadcast %broadcast_in_dim3A : vector<1024x1xf32> to vector<1024x128xf32>
    %add3A_759 = vector.broadcast %get3A_757 : vector<1x128xf32> to vector<1024x128xf32>
    %add3A_760 = arith.addf %add3A_758, %add3A_759 : vector<1024x128xf32>
    %slice3A_761 = vector.extract_strided_slice %dot_general3A_442 {offsets = [0, 1024], sizes = [1024, 128], strides = [1, 1]} : vector<1024x2048xf32> to vector<1024x128xf32>
    %add3A_762 = arith.addf %add3A_760, %slice3A_761 : vector<1024x128xf32>
    %lt3A_763 = arith.cmpf olt, %add3A_762, %select_n3A_751 : vector<1024x128xf32>
    %select_n3A_764 = arith.select %lt3A_763, %add3A_762, %select_n3A_751 : vector<1024x128xi1>, vector<1024x128xf32>
    %jit3A_765 = arith.constant 5.600000e+01 : f32
    %broadcast_in_dim3A_766 = vector.broadcast %jit3A_765 : f32 to vector<1024x128xf32>
    %select_n3A_767 = arith.select %lt3A_763, %broadcast_in_dim3A_766, %select_n3A_754 : vector<1024x128xi1>, vector<1024x128xf32>
    %get3A_768 = arith.constant 0 : index
    %get3A_769 = arith.constant 7296 : index
    %get3A_770 = vector.load %arg7[%get3A_768, %get3A_769] : memref<1x8192xf32, #tpu.memory_space<vmem>>, vector<1x128xf32>
    %add3A_771 = vector.broadcast %broadcast_in_dim3A : vector<1024x1xf32> to vector<1024x128xf32>
    %add3A_772 = vector.broadcast %get3A_770 : vector<1x128xf32> to vector<1024x128xf32>
    %add3A_773 = arith.addf %add3A_771, %add3A_772 : vector<1024x128xf32>
    %slice3A_774 = vector.extract_strided_slice %dot_general3A_442 {offsets = [0, 1152], sizes = [1024, 128], strides = [1, 1]} : vector<1024x2048xf32> to vector<1024x128xf32>
    %add3A_775 = arith.addf %add3A_773, %slice3A_774 : vector<1024x128xf32>
    %lt3A_776 = arith.cmpf olt, %add3A_775, %select_n3A_764 : vector<1024x128xf32>
    %select_n3A_777 = arith.select %lt3A_776, %add3A_775, %select_n3A_764 : vector<1024x128xi1>, vector<1024x128xf32>
    %jit3A_778 = arith.constant 5.700000e+01 : f32
    %broadcast_in_dim3A_779 = vector.broadcast %jit3A_778 : f32 to vector<1024x128xf32>
    %select_n3A_780 = arith.select %lt3A_776, %broadcast_in_dim3A_779, %select_n3A_767 : vector<1024x128xi1>, vector<1024x128xf32>
    %get3A_781 = arith.constant 0 : index
    %get3A_782 = arith.constant 7424 : index
    %get3A_783 = vector.load %arg7[%get3A_781, %get3A_782] : memref<1x8192xf32, #tpu.memory_space<vmem>>, vector<1x128xf32>
    %add3A_784 = vector.broadcast %broadcast_in_dim3A : vector<1024x1xf32> to vector<1024x128xf32>
    %add3A_785 = vector.broadcast %get3A_783 : vector<1x128xf32> to vector<1024x128xf32>
    %add3A_786 = arith.addf %add3A_784, %add3A_785 : vector<1024x128xf32>
    %slice3A_787 = vector.extract_strided_slice %dot_general3A_442 {offsets = [0, 1280], sizes = [1024, 128], strides = [1, 1]} : vector<1024x2048xf32> to vector<1024x128xf32>
    %add3A_788 = arith.addf %add3A_786, %slice3A_787 : vector<1024x128xf32>
    %lt3A_789 = arith.cmpf olt, %add3A_788, %select_n3A_777 : vector<1024x128xf32>
    %select_n3A_790 = arith.select %lt3A_789, %add3A_788, %select_n3A_777 : vector<1024x128xi1>, vector<1024x128xf32>
    %jit3A_791 = arith.constant 5.800000e+01 : f32
    %broadcast_in_dim3A_792 = vector.broadcast %jit3A_791 : f32 to vector<1024x128xf32>
    %select_n3A_793 = arith.select %lt3A_789, %broadcast_in_dim3A_792, %select_n3A_780 : vector<1024x128xi1>, vector<1024x128xf32>
    %get3A_794 = arith.constant 0 : index
    %get3A_795 = arith.constant 7552 : index
    %get3A_796 = vector.load %arg7[%get3A_794, %get3A_795] : memref<1x8192xf32, #tpu.memory_space<vmem>>, vector<1x128xf32>
    %add3A_797 = vector.broadcast %broadcast_in_dim3A : vector<1024x1xf32> to vector<1024x128xf32>
    %add3A_798 = vector.broadcast %get3A_796 : vector<1x128xf32> to vector<1024x128xf32>
    %add3A_799 = arith.addf %add3A_797, %add3A_798 : vector<1024x128xf32>
    %slice3A_800 = vector.extract_strided_slice %dot_general3A_442 {offsets = [0, 1408], sizes = [1024, 128], strides = [1, 1]} : vector<1024x2048xf32> to vector<1024x128xf32>
    %add3A_801 = arith.addf %add3A_799, %slice3A_800 : vector<1024x128xf32>
    %lt3A_802 = arith.cmpf olt, %add3A_801, %select_n3A_790 : vector<1024x128xf32>
    %select_n3A_803 = arith.select %lt3A_802, %add3A_801, %select_n3A_790 : vector<1024x128xi1>, vector<1024x128xf32>
    %jit3A_804 = arith.constant 5.900000e+01 : f32
    %broadcast_in_dim3A_805 = vector.broadcast %jit3A_804 : f32 to vector<1024x128xf32>
    %select_n3A_806 = arith.select %lt3A_802, %broadcast_in_dim3A_805, %select_n3A_793 : vector<1024x128xi1>, vector<1024x128xf32>
    %get3A_807 = arith.constant 0 : index
    %get3A_808 = arith.constant 7680 : index
    %get3A_809 = vector.load %arg7[%get3A_807, %get3A_808] : memref<1x8192xf32, #tpu.memory_space<vmem>>, vector<1x128xf32>
    %add3A_810 = vector.broadcast %broadcast_in_dim3A : vector<1024x1xf32> to vector<1024x128xf32>
    %add3A_811 = vector.broadcast %get3A_809 : vector<1x128xf32> to vector<1024x128xf32>
    %add3A_812 = arith.addf %add3A_810, %add3A_811 : vector<1024x128xf32>
    %slice3A_813 = vector.extract_strided_slice %dot_general3A_442 {offsets = [0, 1536], sizes = [1024, 128], strides = [1, 1]} : vector<1024x2048xf32> to vector<1024x128xf32>
    %add3A_814 = arith.addf %add3A_812, %slice3A_813 : vector<1024x128xf32>
    %lt3A_815 = arith.cmpf olt, %add3A_814, %select_n3A_803 : vector<1024x128xf32>
    %select_n3A_816 = arith.select %lt3A_815, %add3A_814, %select_n3A_803 : vector<1024x128xi1>, vector<1024x128xf32>
    %jit3A_817 = arith.constant 6.000000e+01 : f32
    %broadcast_in_dim3A_818 = vector.broadcast %jit3A_817 : f32 to vector<1024x128xf32>
    %select_n3A_819 = arith.select %lt3A_815, %broadcast_in_dim3A_818, %select_n3A_806 : vector<1024x128xi1>, vector<1024x128xf32>
    %get3A_820 = arith.constant 0 : index
    %get3A_821 = arith.constant 7808 : index
    %get3A_822 = vector.load %arg7[%get3A_820, %get3A_821] : memref<1x8192xf32, #tpu.memory_space<vmem>>, vector<1x128xf32>
    %add3A_823 = vector.broadcast %broadcast_in_dim3A : vector<1024x1xf32> to vector<1024x128xf32>
    %add3A_824 = vector.broadcast %get3A_822 : vector<1x128xf32> to vector<1024x128xf32>
    %add3A_825 = arith.addf %add3A_823, %add3A_824 : vector<1024x128xf32>
    %slice3A_826 = vector.extract_strided_slice %dot_general3A_442 {offsets = [0, 1664], sizes = [1024, 128], strides = [1, 1]} : vector<1024x2048xf32> to vector<1024x128xf32>
    %add3A_827 = arith.addf %add3A_825, %slice3A_826 : vector<1024x128xf32>
    %lt3A_828 = arith.cmpf olt, %add3A_827, %select_n3A_816 : vector<1024x128xf32>
    %select_n3A_829 = arith.select %lt3A_828, %add3A_827, %select_n3A_816 : vector<1024x128xi1>, vector<1024x128xf32>
    %jit3A_830 = arith.constant 6.100000e+01 : f32
    %broadcast_in_dim3A_831 = vector.broadcast %jit3A_830 : f32 to vector<1024x128xf32>
    %select_n3A_832 = arith.select %lt3A_828, %broadcast_in_dim3A_831, %select_n3A_819 : vector<1024x128xi1>, vector<1024x128xf32>
    %get3A_833 = arith.constant 0 : index
    %get3A_834 = arith.constant 7936 : index
    %get3A_835 = vector.load %arg7[%get3A_833, %get3A_834] : memref<1x8192xf32, #tpu.memory_space<vmem>>, vector<1x128xf32>
    %add3A_836 = vector.broadcast %broadcast_in_dim3A : vector<1024x1xf32> to vector<1024x128xf32>
    %add3A_837 = vector.broadcast %get3A_835 : vector<1x128xf32> to vector<1024x128xf32>
    %add3A_838 = arith.addf %add3A_836, %add3A_837 : vector<1024x128xf32>
    %slice3A_839 = vector.extract_strided_slice %dot_general3A_442 {offsets = [0, 1792], sizes = [1024, 128], strides = [1, 1]} : vector<1024x2048xf32> to vector<1024x128xf32>
    %add3A_840 = arith.addf %add3A_838, %slice3A_839 : vector<1024x128xf32>
    %lt3A_841 = arith.cmpf olt, %add3A_840, %select_n3A_829 : vector<1024x128xf32>
    %select_n3A_842 = arith.select %lt3A_841, %add3A_840, %select_n3A_829 : vector<1024x128xi1>, vector<1024x128xf32>
    %jit3A_843 = arith.constant 6.200000e+01 : f32
    %broadcast_in_dim3A_844 = vector.broadcast %jit3A_843 : f32 to vector<1024x128xf32>
    %select_n3A_845 = arith.select %lt3A_841, %broadcast_in_dim3A_844, %select_n3A_832 : vector<1024x128xi1>, vector<1024x128xf32>
    %get3A_846 = arith.constant 0 : index
    %get3A_847 = arith.constant 8064 : index
    %get3A_848 = vector.load %arg7[%get3A_846, %get3A_847] : memref<1x8192xf32, #tpu.memory_space<vmem>>, vector<1x128xf32>
    %add3A_849 = vector.broadcast %broadcast_in_dim3A : vector<1024x1xf32> to vector<1024x128xf32>
    %add3A_850 = vector.broadcast %get3A_848 : vector<1x128xf32> to vector<1024x128xf32>
    %add3A_851 = arith.addf %add3A_849, %add3A_850 : vector<1024x128xf32>
    %slice3A_852 = vector.extract_strided_slice %dot_general3A_442 {offsets = [0, 1920], sizes = [1024, 128], strides = [1, 1]} : vector<1024x2048xf32> to vector<1024x128xf32>
    %add3A_853 = arith.addf %add3A_851, %slice3A_852 : vector<1024x128xf32>
    %lt3A_854 = arith.cmpf olt, %add3A_853, %select_n3A_842 : vector<1024x128xf32>
    %select_n3A_855 = arith.select %lt3A_854, %add3A_853, %select_n3A_842 : vector<1024x128xi1>, vector<1024x128xf32>
    %jit3A_856 = arith.constant 6.300000e+01 : f32
    %broadcast_in_dim3A_857 = vector.broadcast %jit3A_856 : f32 to vector<1024x128xf32>
    %select_n3A_858 = arith.select %lt3A_854, %broadcast_in_dim3A_857, %select_n3A_845 : vector<1024x128xi1>, vector<1024x128xf32>
    %reduce_min3A = arith.constant dense<0x7F800000> : vector<1024xf32>
    %reduce_min3A_859 = vector.multi_reduction <minimumf>, %select_n3A_855, %reduce_min3A [1] : vector<1024x128xf32> to vector<1024xf32>
    %broadcast_in_dim3A_860 = vector.shape_cast %reduce_min3A_859 : vector<1024xf32> to vector<1024x1xf32>
    %mul3A_861 = arith.constant 1.280000e+02 : f32
    %mul3A_862 = vector.broadcast %mul3A_861 : f32 to vector<1024x128xf32>
    %mul3A_863 = arith.mulf %select_n3A_858, %mul3A_862 : vector<1024x128xf32>
    %add3A_864 = arith.addf %mul3A_863, %convert_element_type3A_8 : vector<1024x128xf32>
    %eq3A_865 = vector.broadcast %broadcast_in_dim3A_860 : vector<1024x1xf32> to vector<1024x128xf32>
    %eq3A_866 = arith.cmpf oeq, %select_n3A_855, %eq3A_865 : vector<1024x128xf32>
    %jit3A_867 = arith.constant 8.192000e+03 : f32
    %broadcast_in_dim3A_868 = vector.broadcast %jit3A_867 : f32 to vector<1024x128xf32>
    %select_n3A_869 = arith.select %eq3A_866, %add3A_864, %broadcast_in_dim3A_868 : vector<1024x128xi1>, vector<1024x128xf32>
    %reduce_min3A_870 = arith.constant dense<0x7F800000> : vector<1024xf32>
    %reduce_min3A_871 = vector.multi_reduction <minimumf>, %select_n3A_869, %reduce_min3A_870 [1] : vector<1024x128xf32> to vector<1024xf32>
    %convert_element_type3A_872 = arith.fptosi %reduce_min3A_871 : vector<1024xf32> to vector<1024xi32>
    %swap3A = arith.constant 0 : index
    %swap3A_873 = vector.load %arg4[%swap3A] : memref<1024xi32, #tpu.memory_space<vmem>>, vector<1024xi32>
    tpu.vector_store %arg4[%swap3A], %convert_element_type3A_872 {strides = array<i32>} : memref<1024xi32, #tpu.memory_space<vmem>>, vector<1024xi32>,
    return
  }
  func.func @transform_0(%arg0: i32) -> (i32, i32) {
    %c0_i32 = arith.constant 0 : i32
    %c0_i32_0 = arith.constant 0 : i32
    return %arg0, %c0_i32 : i32, i32
  }
  func.func @transform_1(%arg0: i32) -> (i32, i32) {
    %c0_i32 = arith.constant 0 : i32
    %c0_i32_0 = arith.constant 0 : i32
    %c0_i32_1 = arith.constant 0 : i32
    return %c0_i32, %c0_i32_0 : i32, i32
  }
  func.func @transform_2(%arg0: i32) -> (i32, i32) {
    %c0_i32 = arith.constant 0 : i32
    %c0_i32_0 = arith.constant 0 : i32
    %c0_i32_1 = arith.constant 0 : i32
    return %c0_i32, %c0_i32_0 : i32, i32
  }
  func.func @transform_3(%arg0: i32) -> i32 {
    %c0_i32 = arith.constant 0 : i32
    return %arg0 : i32
  }
  func.func @transform_4(%arg0: i32) -> (i32, i32) {
    %c0_i32 = arith.constant 0 : i32
    %c0_i32_0 = arith.constant 0 : i32
    %c0_i32_1 = arith.constant 0 : i32
    return %c0_i32, %c0_i32_0 : i32, i32
  }
}

</mosaic_0001>

<sc_bundles>
// kernel: kernel.5.cloned.1.call-start
scs
__scs_entry_jumppad:
0x0: {  	(pc) =	sbr.rel $0x88, $3  }
0x1: {  	(tag) =	ssettag $0x0;
	lr =	simm.s32 $0x1  }
0x2: {  	[smem:$0x3F9E] =	sst lr;
	_ =	strace $0xD0000000  }
0x3: {  	_ = 	snop  }
0x4: {  	_ = 	snop  }
0x5: {  	_ = 	snop  }
0x6: {  	_ = 	snop  }
0x7: {  	_ = 	snop  }
__scs_overlays_trampoline_lowered:
0x8: {  	[smem:$0x3FAD] =	sst s0  }
0x9: {  	[smem:$0x3FAE] =	sst s1  }
0xa: {  	[smem:$0x3FAF] =	sst s2  }
0xb: {  	[smem:$0x3FB0] =	sst s3  }
0xc: {  	[smem:$0x3FB1] =	sst s4  }
0xd: {  	[smem:$0x3FB2] =	sst s5  }
0xe: {  	[smem:$0x3FB3] =	sst s6  }
0xf: {  	[smem:$0x3FB4] =	sst s7  }
0x10: {  	[smem:$0x3FB5] =	sst s8  }
0x11: {  	[smem:$0x3FB6] =	sst s9;
	s0 =	simm.s32 @!p0 $0x0  }
0x12: {  	s1 =	sld [smem:$0x3F9C];
	s0 =	simm.s32 @p0 $0x1  }
0x13: {  	[smem:$0x3FB7] =	sst s0;
	s0 =	simm.s32 @!p1 $0x0  }
0x14: {  	s2 =	sld [smem:$0x3F9B];
	s0 =	simm.s32 @p1 $0x1  }
0x15: {  	[smem:$0x3FB8] =	sst s0;
	s0 =	simm.s32 @!p2 $0x0  }
0x16: {  	s3 =	sld [smem:$0x3FDB];
	s0 =	simm.s32 @p2 $0x1  }
0x17: {  	s4 =	simm.s32 $0x1BF5;
	[smem:$0x3FBA] =	sst s0  }
0x18: {  	s0 =	sld [smem:$0x3F9D];
	_ =	swait.ge [sflag:s4], $0x0  }
0x19: {  	s7 =	sld [smem:$0x3F9E]  }
0x1a: {  	s8 =	sadd.s32 $0xFFFFE003, lr  }
0x1b: {  	s9 =	sadd.s32 $0xFFFFFEF7, lr;
	s5 =	simm.s32 $0xFFFFFFFF;
	p2 =	slt.u32 s8, $0xFFFFF086  }
0x1c: {  	p1 =	slt.u32 s9, $0xF7A;
	s5 =	simm.s32 @!p2 $0x0  }
0x1d: {  	s5 =	simm.s32 @p1 $0x1;
	p0 =	seq.s32 s7, s2  }
0x1e: {  	s7 =	smul.u32 @!p0 $0xF7A, s2;
	p2 =	seq.s32 @!p0 s5, $0x0  }
0x1f: {  	s9 =	smul.u32 $0xF7A, s1;
	s8 =	simm.s32 @!p0 $0x1BF5;
	p2 =	por !p2, p0  }
0x20: {  	[sflag:s8] =	ssyncset.s32 @!p0 $0xFFFFF086;
	s6 =	sadd.s32 @!p0 s3, s7;
	s7 =	simm.s32 @!p0 $0x108  }
0x21: {  	s3 =	sadd.s32 s3, s9;
	s6 =	sadd.s32 @!p0 $0x88, s6;
	s7 =	simm.s32 @p2 $0x1082  }
0x22: {  	[simem:s7], [sflag:s8] =	dma.local @!p0 [hbm:s6], $0xF7A  }
0x23: {  	s9 =	sor.u32 $0xD0000000, s2;
	s6 =	simm.s32 $0x108;
	_ =	swait.ge @!p0 [sflag:s8], $0x0  }
0x24: {  	s3 =	sadd.s32 $0x88, s3;
	s6 =	simm.s32 @!p1 $0x1082;
	[sflag:s4] =	ssyncset.s32 $0xFFFFF086  }
0x25: {  	[simem:s6], [sflag:s4] =	dma.local [hbm:s3], $0xF7A  }
0x26: {  	[smem:$0x3F9E] =	sst s1;
	(tag) =	ssettag s2;
	_ =	strace s9  }
0x27: {  	s1 =	sld [smem:$0x3FAE]  }
0x28: {  	s2 =	sld [smem:$0x3FAF]  }
0x29: {  	s4 =	sld [smem:$0x3FB1]  }
0x2a: {  	p0 =	seq.s32 s5, $0x0;
	s5 =	sld [smem:$0x3FB2]  }
0x2b: {  	s6 =	sld [smem:$0x3FB3]  }
0x2c: {  	s7 =	sld [smem:$0x3FB4]  }
0x2d: {  	s3 =	simm.s32 $0x108;
	s8 =	sld [smem:$0x3FB5]  }
0x2e: {  	s3 =	simm.s32 @!p0 $0x1082;
	s9 =	sld [smem:$0x3FB6]  }
0x2f: {  	lr =	sadd.s32 s0, s3;
	s0 =	sld [smem:$0x3FAD]  }
0x30: {  	s3 =	sld [smem:$0x3FB0]  }
0x31: {  	[smem:$0x3FB9] =	sst s10  }
0x32: {  	s10 =	sld [smem:$0x3FB7];
	_ =	sdelay $0x3  }
0x33: {  	p0 =	seq.s32 s10, $0x1;
	s10 =	sld [smem:$0x3FB9];
	_ =	sdelay $0x3  }
0x34: {  	[smem:$0x3FB9] =	sst s10  }
0x35: {  	s10 =	sld [smem:$0x3FB8];
	_ =	sdelay $0x3  }
0x36: {  	p1 =	seq.s32 s10, $0x1;
	s10 =	sld [smem:$0x3FB9];
	_ =	sdelay $0x3  }
0x37: {  	[smem:$0x3FB9] =	sst s10  }
0x38: {  	s10 =	sld [smem:$0x3FBA]  }
0x39: {  	_ = 	snop;
	(pc) =	sbr.ind lr, $3  }
0x3a: {  	_ = 	snop  }
0x3b: {  	_ = 	snop  }
0x3c: {  	p2 =	seq.s32 s10, $0x1;
	s10 =	sld [smem:$0x3FB9]  }
0x3d: {  	_ =	shalt  }
0x3e: {  	_ =	shalt  }
0x3f: {  	_ =	shalt  }
0x40: {  	_ =	shalt  }
0x41: {  	_ =	shalt  }
0x42: {  	_ =	shalt  }
0x43: {  	_ =	shalt  }
0x44: {  	_ =	shalt  }
0x45: {  	_ =	shalt  }
0x46: {  	_ =	shalt  }
0x47: {  	_ =	shalt  }
0x48: {  	_ =	shalt  }
0x49: {  	_ =	shalt  }
0x4a: {  	_ =	shalt  }
0x4b: {  	_ =	shalt  }
0x4c: {  	_ =	shalt  }
0x4d: {  	_ =	shalt  }
0x4e: {  	_ =	shalt  }
0x4f: {  	_ =	shalt  }
0x50: {  	_ =	shalt  }
0x51: {  	_ =	shalt  }
0x52: {  	_ =	shalt  }
0x53: {  	_ =	shalt  }
0x54: {  	_ =	shalt  }
0x55: {  	_ =	shalt  }
0x56: {  	_ =	shalt  }
0x57: {  	_ =	shalt  }
0x58: {  	_ =	shalt  }
0x59: {  	_ =	shalt  }
0x5a: {  	_ =	shalt  }
0x5b: {  	_ =	shalt  }
0x5c: {  	_ =	shalt  }
0x5d: {  	_ =	shalt  }
0x5e: {  	_ =	shalt  }
0x5f: {  	_ =	shalt  }
0x60: {  	_ =	shalt  }
0x61: {  	_ =	shalt  }
0x62: {  	_ =	shalt  }
0x63: {  	_ =	shalt  }
0x64: {  	_ =	shalt  }
0x65: {  	_ =	shalt  }
0x66: {  	_ =	shalt  }
0x67: {  	_ =	shalt  }
0x68: {  	_ =	shalt  }
0x69: {  	_ =	shalt  }
0x6a: {  	_ =	shalt  }
0x6b: {  	_ =	shalt  }
0x6c: {  	_ =	shalt  }
0x6d: {  	_ =	shalt  }
0x6e: {  	_ =	shalt  }
0x6f: {  	_ =	shalt  }
0x70: {  	_ =	shalt  }
0x71: {  	_ =	shalt  }
0x72: {  	_ =	shalt  }
0x73: {  	_ =	shalt  }
0x74: {  	_ =	shalt  }
0x75: {  	_ =	shalt  }
0x76: {  	_ =	shalt  }
0x77: {  	_ =	shalt  }
0x78: {  	_ =	shalt  }
0x79: {  	_ =	shalt  }
0x7a: {  	_ =	shalt  }
0x7b: {  	_ =	shalt  }
0x7c: {  	_ =	shalt  }
0x7d: {  	_ =	shalt  }
0x7e: {  	_ =	shalt  }
0x7f: {  	_ =	shalt  }
0x80: {  	_ =	shalt  }
0x81: {  	_ =	shalt  }
0x82: {  	_ =	shalt  }
0x83: {  	_ =	shalt  }
0x84: {  	_ =	shalt  }
0x85: {  	_ =	shalt  }
0x86: {  	_ =	shalt  }
0x87: {  	_ =	shalt  }
.Lfunc_end0:
.L_simem_size_0:
called_computation_lowered:
.L_overlay_start_0:
0x88: {  	s2 =	sld [smem:$0x3FD9]  }
0x89: {  	s3 =	sld [smem:$0x3FFE];
	_ =	sdelay $0x1  }
0x8a: {  	s1 =	srdreg.scid  }
0x8b: {  	s0 =	sand.u32 $0x1, s1  }
0x8c: {  	s14 =	sshll.u32 s0, $0xA;
	s2 =	sadd.s32 s3, s2  }
0x8d: {  	s2 =	sadd.s32 s2, s14  }
0x8e: {  	[smem:$0x3FC5] =	sst s2  }
0x8f: {  	_ = 	snop  }
0x90: {  	s2 =	sld [smem:$0x3FD0];
	_ =	sdelay $0x2  }
0x91: {  	s15 =	simm.s32 $0xA;
	s4 =	simm.s32 $0x10  }
0x92: {  	[smem:s4], [sflag:s15] =	dma.local [hbm:s2], $0x1  }
0x93: {  	_ =	swait.eq [sflag:s15], $0x1  }
0x94: {  	[sflag:s15] =	ssyncset.done $0x0  }
0x95: {  	[sflag:s15] =	ssyncadd.s32 $0xFFFFFFFF  }
0x96: {  	s16 =	sld [smem:$0x10];
	(tm) =	ssettm $0x1  }
0x97: {  	s17 =	sld [smem:$0x3FFB];
	_ =	sdelay $0x3  }
0x98: {  	_ =	strace s17  }
0x99: {  	s3 =	sld [smem:$0x3FFC];
	_ =	sdelay $0x3  }
0x9a: {  	_ =	strace s3  }
0x9b: {  	s3 =	sld [smem:$0x3FFD];
	_ =	sdelay $0x3  }
0x9c: {  	_ =	strace s3  }
0x9d: {  	_ =	strace $0x8FFFFFFF  }
0x9e: {  	s18 =	sld [smem:$0x3FDB];
	_ =	sdelay $0x1  }
0x9f: {  	s19 =	simm.s32 $_scs_section_size  }
0xa0: {  	s5 =	simm.s32 $_size__tile_overlayer_lowered;
	s6 =	simm.s32 $_tile_overlayer_lowered  }
0xa1: {  	s22 =	simm.s32 $0x1BFF;
	s21 =	sshll.u32 s6, $0x1;
	s3 =	sadd.s32 s19, s18  }
0xa2: {  	s7 =	simm.s32 $0x0;
	s20 =	sshll.u32 s5, $0x1;
	s5 =	sadd.s32 s21, s3  }
0xa3: {  	[timem:s7], [sflag:s22] =	dma.local [hbm:s5], s20  }
0xa4: {  	_ =	swait.ge [sflag:s22], s20  }
0xa5: {  	s4 =	ssub.s32 $0x0, s20;
	[sflag:s22] =	ssyncset.done $0x0  }
0xa6: {  	[sflag:s22] =	ssyncadd.s32 s4;
	_ =	sdelay $0x1  }
0xa7: {  	s23 =	simm.s32 $0x1B8B  }
0xa8: {  	_ =	swait.ge [sflag:s23], $0x1  }
0xa9: {  	[sflag:s23] =	ssyncset.done $0x0  }
0xaa: {  	s25 =	simm.s32 $0x1B8E;
	s24 =	sld [smem:$0x3FFE];
	[sflag:s23] =	ssyncadd.s32 $0xFFFFFFFF  }
0xab: {  	s26 =	simm.s32 $execute0_lowered;
	[smem:$0x3FD2] =	sst s25  }
0xac: {  	s5 =	sshll.u32 s26, $0x1;
	_ =	strace $0x80000046;
	[dreg:$0x1] =	wrdreg $0xFFFFFFFF  }
0xad: {  	s28 =	simm.s32 $_size_execute0_lowered;
	s3 =	sadd.s32 s3, s5;
	[dreg:$0x0] =	wrdreg $0x0  }
0xae: {  	s5 =	sshll.u32 s28, $0x1;
	[dreg:$0x2] =	wrdreg s3  }
0xaf: {  	[dreg:$0x3] =	wrdreg s5  }
0xb0: {  	[dreg:$0x4] =	wrdreg $0xC0  }
0xb1: {  	_ =	task [dreg:s7], $0x5FFFF  }
0xb2: {  	[dreg:$0x1] =	wrdreg $0xFFFFFFFF  }
0xb3: {  	[dreg:$0x0] =	wrdreg $0x60  }
0xb4: {  	[dreg:$0x2] =	wrdreg s24  }
0xb5: {  	[dreg:$0x3] =	wrdreg s16  }
0xb6: {  	[dreg:$0x4] =	wrdreg $0x9  }
0xb7: {  	_ =	task.clear_ibuf [dreg:s7], $0x5FFFF;
	_ =	strace $0x90000046  }
0xb8: {  	s29 =	simm.s32 $0x9;
	_ =	strace $0x80000048  }
0xb9: {  	_ =	swait.ge [sflag:s29], $0x1  }
0xba: {  	[sflag:s29] =	ssyncadd.s32 $0xFFFFFFFF  }
0xbb: {  	_ =	strace $0x90000048  }
0xbc: {  	_ =	sfence  }
0xbd: {  	s30 =	sld [smem:$0x0];
	_ =	sdelay $0x2  }
0xbe: {  	s31 =	sshll.u32 s1, $0xD;
	s1 =	sshrl.u32 s1, $0x2  }
0xbf: {  	s3 =	sand.u32 $0x4000, s31;
	s1 =	sadd.s32 s1, s30  }
0xc0: {  	s0 =	sor.u32 s3, s0;
	s1 =	sshll.u32 s1, $0x11  }
0xc1: {  	s0 =	sor.u32 s1, s0  }
0xc2: {  	s0 =	sadd.s32 $0x8F2B, s0  }
0xc3: {  	[sflag:s0] =	ssyncadd.remote.s32 $0x1  }
0xc4: {  	_ =	sfence.sel $0xFFFF  }
0xc5: {  	[dreg:$0x0] =	wrdreg $0xFFFFFFFF;
	(pc) =	sbr.abs _section_cstart, $3  }
0xc6: {  	[dreg:$0x1] =	wrdreg $0xFFFFFFFF  }
0xc7: {  	_ =	task.clear_ibuf [dreg:s7], $0x2FFFF;
	_ =	strace $0x9FFFFFFF  }
0xc8: {  	(tm) =	ssettm $0x7FFFFFFF  }
0xc9: {  	_ =	shalt  }
tec
execute0_lowered:
.L_overlay_start_1:
0x0: {  	(tag) =	ssettag $0x1  }
0x1: {  	s0 =	rddreg [dreg:$0x0]  }
0x2: {  	s3 =	rddreg [dreg:$0x1];
	s2 =	srdreg.scid  }
0x3: {  	s1 =	stileid.u32;
	s18 =	simm.s32 $0x80;
	s19 =	simm.s32 $0x8980  }
0x4: {  	s20 =	simm.s32 $0x9180;
	s4 =	sand.u32 $0x1, s2;
	s2 =	simm.s32 $0x0  }
0x5: {  	s21 =	simm.s32 $0x9980;
	s22 =	simm.s32 $0xA180;
	[smem:$0x7FF] =	sst s2  }
0x6: {  	s23 =	simm.s32 $0xA980;
	_ =	strace $0x80000047;
	[dreg:$0xb] =	wrdreg s18  }
0x7: {  	s24 =	simm.s32 $0xB180;
	s28 =	simm.s32 $0x4;
	[dreg:$0xc] =	wrdreg s19  }
0x8: {  	s29 =	simm.s32 $0x2;
	s30 =	simm.s32 $0x3;
	[dreg:$0xd] =	wrdreg s20  }
0x9: {  	s31 =	simm.s32 $0x5;
	s5 =	sshll.u32 s1, $0xA;
	[dreg:$0xe] =	wrdreg s21  }
0xa: {  	s25 =	sadd.s32 $0x41400, s0;
	s6 =	sshll.u32 s4, $0x9;
	[dreg:$0xf] =	wrdreg s22  }
0xb: {  	s4 =	ssub.s32 $0x2, s4;
	s5 =	sor.u32 s6, s5;
	[dreg:$0x10] =	wrdreg s23  }
0xc: {  	[dreg:$0x11] =	wrdreg s24;
	s18 =	simm.s32 $0x12980;
	s19 =	simm.s32 $0x13180  }
0xd: {  	s20 =	simm.s32 $0x13980;
	s21 =	simm.s32 $0x14180;
	s22 =	simm.s32 $0x14980  }
0xe: {  	s23 =	simm.s32 $0x15180;
	s24 =	simm.s32 $0x15980;
	[smem:$0x7F5] =	sst s18  }
0xf: {  	s7 =	sshrl.u32 s5, $0x3;
	s8 =	sor.u32 $0x80, s5;
	[smem:$0x7F6] =	sst s19  }
0x10: {  	s1 =	sor.u32 $0x100, s5;
	s10 =	sshll.u32 s5, $0x5;
	[smem:$0x7F7] =	sst s20  }
0x11: {  	s5 =	sor.u32 $0x180, s5;
	s18 =	simm.s32 $0x6180;
	[smem:$0x7F8] =	sst s21  }
0x12: {  	s19 =	simm.s32 $0x6980;
	s20 =	simm.s32 $0x7180;
	[smem:$0x7F9] =	sst s22  }
0x13: {  	s21 =	simm.s32 $0x7980;
	[smem:$0x7FA] =	sst s23;
	s22 =	simm.s32 $0x8180  }
0x14: {  	[smem:$0x7FB] =	sst s24;
	s7 =	sadd.s32 s25, s7;
	s9 =	sshrl.u32 s8, $0x3  }
0x15: {  	s11 =	sshrl.u32 s1, $0x3;
	s12 =	sadd.s32 s3, s10;
	[dreg:$0x3] =	wrdreg s7  }
0x16: {  	s16 =	sshll.u32 s1, $0x5;
	s1 =	simm.s32 $0xC180;
	[dreg:$0x6] =	wrdreg s12  }
0x17: {  	s14 =	sshll.u32 s8, $0x5;
	s8 =	simm.s32 $0xD980;
	[dreg:$0x13] =	wrdreg s1  }
0x18: {  	s23 =	simm.s32 $0x10180;
	s10 =	simm.s32 $0xE980;
	[dreg:$0x16] =	wrdreg s8  }
0x19: {  	s13 =	sshrl.u32 s5, $0x3;
	s26 =	sadd.s32 s25, s9;
	[dreg:$0x18] =	wrdreg s10  }
0x1a: {  	s5 =	sshll.u32 s5, $0x5;
	s7 =	sadd.s32 s25, s11;
	[dreg:$0x4] =	wrdreg s26  }
0x1b: {  	s6 =	sadd.s32 s25, s13;
	s15 =	sadd.s32 s3, s14;
	[dreg:$0x5] =	wrdreg s7  }
0x1c: {  	s17 =	sadd.s32 s3, s16;
	s3 =	sadd.s32 s3, s5;
	[dreg:$0x7] =	wrdreg s6  }
0x1d: {  	s25 =	simm.s32 $0xB980;
	s5 =	simm.s32 $0x7;
	[dreg:$0x8] =	wrdreg s15  }
0x1e: {  	s9 =	simm.s32 $0xE180;
	s8 =	simm.s32 $0x1180;
	[dreg:$0x9] =	wrdreg s17  }
0x1f: {  	s11 =	simm.s32 $0xF180;
	s12 =	simm.s32 $0xF980;
	[dreg:$0xa] =	wrdreg s3  }
0x20: {  	s10 =	simm.s32 $0x2180;
	s13 =	simm.s32 $0x100;
	[dreg:$0x12] =	wrdreg s25  }
0x21: {  	s14 =	simm.s32 $0x10980;
	s16 =	simm.s32 $0x11980;
	[dreg:$0x17] =	wrdreg s9  }
0x22: {  	s3 =	sadd.s32 $0x1400, s0;
	s26 =	sshrl.u32 s4, $0x1;
	[dreg:$0x19] =	wrdreg s11  }
0x23: {  	s6 =	simm.s32 $0xC980;
	s7 =	simm.s32 $0xD180;
	[dreg:$0x1a] =	wrdreg s12  }
0x24: {  	s9 =	simm.s32 $0x1980;
	s11 =	simm.s32 $0x2980;
	[dreg:$0x1b] =	wrdreg s13  }
0x25: {  	s12 =	simm.s32 $0x3180;
	[dreg:$0x1c] =	wrdreg s14;
	s15 =	simm.s32 $0x11180  }
0x26: {  	s13 =	simm.s32 $0x3980;
	s14 =	simm.s32 $0x4180;
	[dreg:$0x1e] =	wrdreg s16  }
0x27: {  	s17 =	simm.s32 $0x12180;
	s16 =	simm.s32 $0x5180;
	[dreg:$0x14] =	wrdreg s6  }
0x28: {  	s25 =	simm.s32 $0x16180;
	s0 =	simm.s32 $0x6;
	[dreg:$0x15] =	wrdreg s7  }
0x29: {  	s4 =	ssub.s32 s4, s26;
	s6 =	simm.s32 $0x180;
	[dreg:$0x1d] =	wrdreg s15  }
0x2a: {  	v2 =	vlaneseq.u32;
	s7 =	simm.s32 $0x980;
	s15 =	simm.s32 $0x4980;
	[dreg:$0x1f] =	wrdreg s17  }
0x2b: {  	vm0 =	vmmov $0xffff;
	v1 =	vshrl.u32 v2, $0x3;
	s17 =	simm.s32 $0x5980;
	[smem:$0x7FC] =	sst s25;
	s26 =	simm.s32 $0x16980  }
0x2c: {  	v0 =	vand.u32 $0x7, v2;
	v2 =	vor.u32 $0x8, v2;
	v1 =	vmul.u32 $0x8, v1;
	s4 =	smax.u32 s4, $0x1;
	[smem:$0x7FD] =	sst s26;
	s26 =	simm.s32 $0x1  }
.LBB2_1:
0x2d: {  	s1 =	rddreg [dreg:$0x3]  }
0x2e: {  	[tilespmem:s2], [sflag:$0x7] =	stream.linear.gather [hbm4b:s1+s2], $0x80, $0x38;
	[tilespmem:$0x18180] =	vst v63  }
0x2f: {  	_ =	swait.ge [sflag:s5], $0x80  }
0x30: {  	[sflag:s5] =	ssyncset.done $0x0  }
0x31: {  	[sflag:s5] =	ssyncadd.s32 $0xFFFFFF80  }
0x32: {  	v3 =	vld [tilespmem:$0x0];
	_ =	sdelay $0x4  }
0x33: {  	v4 =	vshll.u32 v3, $0x1  }
0x34: {  	v3 =	vand.u32 $0x7, v3;
	v4 =	vand.u32 $0xFFFFFFF0, v4  }
0x35: {  	v3 =	vor.u32 v3, v4  }
0x36: {  	v4 =	vperm.xlane v3, v0;
	_ =	sdelay $0x1  }
0x37: {  	v3 =	vperm.xlane v3, v2;
	v4 =	vadd.s32 v1, v4;
	_ =	sdelay $0x1  }
0x38: {  	v3 =	vadd.s32 v1, v3;
	_ =	sdelay $0x2  }
0x39: {  	[tilespmem:s6], [sflag:$0x1] =	stream.indirect_vreg.gather [hbm4b:s3+s2], $0x80, v4, vm0, $0xb8;
	[tilespmem:$0x18180] =	vst v63  }
0x3a: {  	_ = 	snop  }
0x3b: {  	[tilespmem:s7], [sflag:$0x1] =	stream.indirect_vreg.gather [hbm4b:s3+s2], $0x80, v3, vm0, $0xb8;
	[tilespmem:$0x18180] =	vst v63  }
0x3c: {  	v3 =	vld [tilespmem:$0x10];
	_ =	sdelay $0x4  }
0x3d: {  	v33 =	vshll.u32 v3, $0x1  }
0x3e: {  	v3 =	vand.u32 $0x7, v3;
	v4 =	vand.u32 $0xFFFFFFF0, v33  }
0x3f: {  	v3 =	vor.u32 v3, v4  }
0x40: {  	v4 =	vperm.xlane v3, v0;
	_ =	sdelay $0x1  }
0x41: {  	v3 =	vperm.xlane v3, v2;
	v4 =	vadd.s32 v1, v4;
	_ =	sdelay $0x1  }
0x42: {  	v3 =	vadd.s32 v1, v3;
	_ =	sdelay $0x2  }
0x43: {  	[tilespmem:s8], [sflag:$0x1] =	stream.indirect_vreg.gather [hbm4b:s3+s2], $0x80, v4, vm0, $0xb8;
	[tilespmem:$0x18180] =	vst v63  }
0x44: {  	_ = 	snop  }
0x45: {  	[tilespmem:s9], [sflag:$0x1] =	stream.indirect_vreg.gather [hbm4b:s3+s2], $0x80, v3, vm0, $0xb8;
	[tilespmem:$0x18180] =	vst v63  }
0x46: {  	v3 =	vld [tilespmem:$0x20];
	_ =	sdelay $0x4  }
0x47: {  	v34 =	vshll.u32 v3, $0x1  }
0x48: {  	v3 =	vand.u32 $0x7, v3;
	v4 =	vand.u32 $0xFFFFFFF0, v34  }
0x49: {  	v3 =	vor.u32 v3, v4  }
0x4a: {  	v4 =	vperm.xlane v3, v0;
	_ =	sdelay $0x1  }
0x4b: {  	v3 =	vperm.xlane v3, v2;
	v4 =	vadd.s32 v1, v4;
	_ =	sdelay $0x1  }
0x4c: {  	v3 =	vadd.s32 v1, v3;
	_ =	sdelay $0x2  }
0x4d: {  	[tilespmem:s10], [sflag:$0x1] =	stream.indirect_vreg.gather [hbm4b:s3+s2], $0x80, v4, vm0, $0xb8;
	[tilespmem:$0x18180] =	vst v63  }
0x4e: {  	_ = 	snop  }
0x4f: {  	[tilespmem:s11], [sflag:$0x1] =	stream.indirect_vreg.gather [hbm4b:s3+s2], $0x80, v3, vm0, $0xb8;
	[tilespmem:$0x18180] =	vst v63  }
0x50: {  	v3 =	vld [tilespmem:$0x30];
	_ =	sdelay $0x4  }
0x51: {  	v35 =	vshll.u32 v3, $0x1  }
0x52: {  	v3 =	vand.u32 $0x7, v3;
	v4 =	vand.u32 $0xFFFFFFF0, v35  }
0x53: {  	v3 =	vor.u32 v3, v4  }
0x54: {  	v4 =	vperm.xlane v3, v0;
	_ =	sdelay $0x1  }
0x55: {  	v3 =	vperm.xlane v3, v2;
	v4 =	vadd.s32 v1, v4;
	_ =	sdelay $0x1  }
0x56: {  	v3 =	vadd.s32 v1, v3;
	_ =	sdelay $0x2  }
0x57: {  	[tilespmem:s12], [sflag:$0x1] =	stream.indirect_vreg.gather [hbm4b:s3+s2], $0x80, v4, vm0, $0xb8;
	[tilespmem:$0x18180] =	vst v63  }
0x58: {  	_ = 	snop  }
0x59: {  	[tilespmem:s13], [sflag:$0x1] =	stream.indirect_vreg.gather [hbm4b:s3+s2], $0x80, v3, vm0, $0xb8;
	[tilespmem:$0x18180] =	vst v63  }
0x5a: {  	v3 =	vld [tilespmem:$0x40];
	_ =	sdelay $0x4  }
0x5b: {  	v36 =	vshll.u32 v3, $0x1  }
0x5c: {  	v3 =	vand.u32 $0x7, v3;
	v4 =	vand.u32 $0xFFFFFFF0, v36  }
0x5d: {  	v3 =	vor.u32 v3, v4  }
0x5e: {  	v4 =	vperm.xlane v3, v0;
	_ =	sdelay $0x1  }
0x5f: {  	v3 =	vperm.xlane v3, v2;
	v4 =	vadd.s32 v1, v4;
	_ =	sdelay $0x1  }
0x60: {  	v3 =	vadd.s32 v1, v3;
	_ =	sdelay $0x2  }
0x61: {  	[tilespmem:s14], [sflag:$0x1] =	stream.indirect_vreg.gather [hbm4b:s3+s2], $0x80, v4, vm0, $0xb8;
	[tilespmem:$0x18180] =	vst v63  }
0x62: {  	_ = 	snop  }
0x63: {  	[tilespmem:s15], [sflag:$0x1] =	stream.indirect_vreg.gather [hbm4b:s3+s2], $0x80, v3, vm0, $0xb8;
	[tilespmem:$0x18180] =	vst v63  }
0x64: {  	v3 =	vld [tilespmem:$0x50];
	_ =	sdelay $0x4  }
0x65: {  	v37 =	vshll.u32 v3, $0x1  }
0x66: {  	v3 =	vand.u32 $0x7, v3;
	v4 =	vand.u32 $0xFFFFFFF0, v37  }
0x67: {  	v3 =	vor.u32 v3, v4  }
0x68: {  	v4 =	vperm.xlane v3, v0;
	_ =	sdelay $0x1  }
0x69: {  	v3 =	vperm.xlane v3, v2;
	v4 =	vadd.s32 v1, v4;
	_ =	sdelay $0x1  }
0x6a: {  	v3 =	vadd.s32 v1, v3;
	_ =	sdelay $0x2  }
0x6b: {  	[tilespmem:s16], [sflag:$0x1] =	stream.indirect_vreg.gather [hbm4b:s3+s2], $0x80, v4, vm0, $0xb8;
	[tilespmem:$0x18180] =	vst v63  }
0x6c: {  	_ = 	snop  }
0x6d: {  	[tilespmem:s17], [sflag:$0x1] =	stream.indirect_vreg.gather [hbm4b:s3+s2], $0x80, v3, vm0, $0xb8;
	[tilespmem:$0x18180] =	vst v63  }
0x6e: {  	v3 =	vld [tilespmem:$0x60];
	_ =	sdelay $0x4  }
0x6f: {  	v38 =	vshll.u32 v3, $0x1  }
0x70: {  	v3 =	vand.u32 $0x7, v3;
	v4 =	vand.u32 $0xFFFFFFF0, v38  }
0x71: {  	v3 =	vor.u32 v3, v4  }
0x72: {  	v4 =	vperm.xlane v3, v0;
	_ =	sdelay $0x1  }
0x73: {  	v3 =	vperm.xlane v3, v2;
	v4 =	vadd.s32 v1, v4;
	_ =	sdelay $0x1  }
0x74: {  	v3 =	vadd.s32 v1, v3;
	_ =	sdelay $0x2  }
0x75: {  	[tilespmem:s18], [sflag:$0x1] =	stream.indirect_vreg.gather [hbm4b:s3+s2], $0x80, v4, vm0, $0xb8;
	[tilespmem:$0x18180] =	vst v63  }
0x76: {  	_ = 	snop  }
0x77: {  	[tilespmem:s19], [sflag:$0x1] =	stream.indirect_vreg.gather [hbm4b:s3+s2], $0x80, v3, vm0, $0xb8;
	[tilespmem:$0x18180] =	vst v63  }
0x78: {  	v3 =	vld [tilespmem:$0x70];
	_ =	sdelay $0x4  }
0x79: {  	v39 =	vshll.u32 v3, $0x1  }
0x7a: {  	v3 =	vand.u32 $0x7, v3;
	v4 =	vand.u32 $0xFFFFFFF0, v39  }
0x7b: {  	v3 =	vor.u32 v3, v4  }
0x7c: {  	v4 =	vperm.xlane v3, v0;
	_ =	sdelay $0x1  }
0x7d: {  	v3 =	vperm.xlane v3, v2;
	v4 =	vadd.s32 v1, v4;
	_ =	sdelay $0x1  }
0x7e: {  	v3 =	vadd.s32 v1, v3;
	_ =	sdelay $0x2  }
0x7f: {  	[tilespmem:s20], [sflag:$0x1] =	stream.indirect_vreg.gather [hbm4b:s3+s2], $0x80, v4, vm0, $0xb8;
	[tilespmem:$0x18180] =	vst v63  }
0x80: {  	s25 =	rddreg [dreg:$0x4]  }
0x81: {  	[tilespmem:s21], [sflag:$0x1] =	stream.indirect_vreg.gather [hbm4b:s3+s2], $0x80, v3, vm0, $0xb8;
	[tilespmem:$0x18180] =	vst v63  }
0x82: {  	s24 =	rddreg [dreg:$0xb]  }
0x83: {  	[tilespmem:s24], [sflag:$0x7] =	stream.linear.gather [hbm4b:s25+s2], $0x80, $0x38;
	[tilespmem:$0x18180] =	vst v63  }
0x84: {  	_ =	swait.ge [sflag:s5], $0x80  }
0x85: {  	[sflag:s5] =	ssyncset.done $0x0  }
0x86: {  	[sflag:s5] =	ssyncadd.s32 $0xFFFFFF80  }
0x87: {  	v3 =	vld [tilespmem:$0x80];
	_ =	sdelay $0x4  }
0x88: {  	v40 =	vshll.u32 v3, $0x1  }
0x89: {  	v3 =	vand.u32 $0x7, v3;
	v4 =	vand.u32 $0xFFFFFFF0, v40  }
0x8a: {  	v3 =	vor.u32 v3, v4  }
0x8b: {  	v4 =	vperm.xlane v3, v0;
	_ =	sdelay $0x1  }
0x8c: {  	v3 =	vperm.xlane v3, v2;
	v4 =	vadd.s32 v1, v4;
	_ =	sdelay $0x1  }
0x8d: {  	v3 =	vadd.s32 v1, v3;
	_ =	sdelay $0x2  }
0x8e: {  	[tilespmem:s22], [sflag:$0x2] =	stream.indirect_vreg.gather [hbm4b:s3+s2], $0x80, v4, vm0, $0xb8;
	[tilespmem:$0x18180] =	vst v63  }
0x8f: {  	s25 =	rddreg [dreg:$0xc]  }
0x90: {  	[tilespmem:s25], [sflag:$0x2] =	stream.indirect_vreg.gather [hbm4b:s3+s2], $0x80, v3, vm0, $0xb8;
	[tilespmem:$0x18180] =	vst v63  }
0x91: {  	v3 =	vld [tilespmem:$0x90];
	_ =	sdelay $0x4  }
0x92: {  	v41 =	vshll.u32 v3, $0x1  }
0x93: {  	v3 =	vand.u32 $0x7, v3;
	v4 =	vand.u32 $0xFFFFFFF0, v41  }
0x94: {  	v3 =	vor.u32 v3, v4  }
0x95: {  	v4 =	vperm.xlane v3, v0;
	_ =	sdelay $0x1  }
0x96: {  	v3 =	vperm.xlane v3, v2;
	v4 =	vadd.s32 v1, v4;
	_ =	sdelay $0x1  }
0x97: {  	v3 =	vadd.s32 v1, v3;
	_ =	sdelay $0x1  }
0x98: {  	s24 =	rddreg [dreg:$0xd]  }
0x99: {  	[tilespmem:s24], [sflag:$0x2] =	stream.indirect_vreg.gather [hbm4b:s3+s2], $0x80, v4, vm0, $0xb8;
	[tilespmem:$0x18180] =	vst v63  }
0x9a: {  	s25 =	rddreg [dreg:$0xe]  }
0x9b: {  	[tilespmem:s25], [sflag:$0x2] =	stream.indirect_vreg.gather [hbm4b:s3+s2], $0x80, v3, vm0, $0xb8;
	[tilespmem:$0x18180] =	vst v63  }
0x9c: {  	v3 =	vld [tilespmem:$0xA0];
	_ =	sdelay $0x4  }
0x9d: {  	v42 =	vshll.u32 v3, $0x1  }
0x9e: {  	v3 =	vand.u32 $0x7, v3;
	v4 =	vand.u32 $0xFFFFFFF0, v42  }
0x9f: {  	v3 =	vor.u32 v3, v4  }
0xa0: {  	v4 =	vperm.xlane v3, v0;
	_ =	sdelay $0x1  }
0xa1: {  	v3 =	vperm.xlane v3, v2;
	v4 =	vadd.s32 v1, v4;
	_ =	sdelay $0x1  }
0xa2: {  	v3 =	vadd.s32 v1, v3;
	_ =	sdelay $0x1  }
0xa3: {  	s24 =	rddreg [dreg:$0xf]  }
0xa4: {  	[tilespmem:s24], [sflag:$0x2] =	stream.indirect_vreg.gather [hbm4b:s3+s2], $0x80, v4, vm0, $0xb8;
	[tilespmem:$0x18180] =	vst v63  }
0xa5: {  	s25 =	rddreg [dreg:$0x10]  }
0xa6: {  	[tilespmem:s25], [sflag:$0x2] =	stream.indirect_vreg.gather [hbm4b:s3+s2], $0x80, v3, vm0, $0xb8;
	[tilespmem:$0x18180] =	vst v63  }
0xa7: {  	v3 =	vld [tilespmem:$0xB0];
	_ =	sdelay $0x4  }
0xa8: {  	v43 =	vshll.u32 v3, $0x1  }
0xa9: {  	v3 =	vand.u32 $0x7, v3;
	v4 =	vand.u32 $0xFFFFFFF0, v43  }
0xaa: {  	v3 =	vor.u32 v3, v4  }
0xab: {  	v4 =	vperm.xlane v3, v0;
	_ =	sdelay $0x1  }
0xac: {  	v3 =	vperm.xlane v3, v2;
	v4 =	vadd.s32 v1, v4;
	_ =	sdelay $0x1  }
0xad: {  	v3 =	vadd.s32 v1, v3;
	_ =	sdelay $0x1  }
0xae: {  	s24 =	rddreg [dreg:$0x11]  }
0xaf: {  	[tilespmem:s24], [sflag:$0x2] =	stream.indirect_vreg.gather [hbm4b:s3+s2], $0x80, v4, vm0, $0xb8;
	[tilespmem:$0x18180] =	vst v63  }
0xb0: {  	s25 =	rddreg [dreg:$0x12]  }
0xb1: {  	[tilespmem:s25], [sflag:$0x2] =	stream.indirect_vreg.gather [hbm4b:s3+s2], $0x80, v3, vm0, $0xb8;
	[tilespmem:$0x18180] =	vst v63  }
0xb2: {  	v3 =	vld [tilespmem:$0xC0];
	_ =	sdelay $0x4  }
0xb3: {  	v44 =	vshll.u32 v3, $0x1  }
0xb4: {  	v3 =	vand.u32 $0x7, v3;
	v4 =	vand.u32 $0xFFFFFFF0, v44  }
0xb5: {  	v3 =	vor.u32 v3, v4  }
0xb6: {  	v4 =	vperm.xlane v3, v0;
	_ =	sdelay $0x1  }
0xb7: {  	v3 =	vperm.xlane v3, v2;
	v4 =	vadd.s32 v1, v4;
	_ =	sdelay $0x1  }
0xb8: {  	v3 =	vadd.s32 v1, v3;
	_ =	sdelay $0x1  }
0xb9: {  	s24 =	rddreg [dreg:$0x13]  }
0xba: {  	[tilespmem:s24], [sflag:$0x2] =	stream.indirect_vreg.gather [hbm4b:s3+s2], $0x80, v4, vm0, $0xb8;
	[tilespmem:$0x18180] =	vst v63  }
0xbb: {  	s25 =	rddreg [dreg:$0x14]  }
0xbc: {  	[tilespmem:s25], [sflag:$0x2] =	stream.indirect_vreg.gather [hbm4b:s3+s2], $0x80, v3, vm0, $0xb8;
	[tilespmem:$0x18180] =	vst v63  }
0xbd: {  	v3 =	vld [tilespmem:$0xD0];
	_ =	sdelay $0x4  }
0xbe: {  	v45 =	vshll.u32 v3, $0x1  }
0xbf: {  	v3 =	vand.u32 $0x7, v3;
	v4 =	vand.u32 $0xFFFFFFF0, v45  }
0xc0: {  	v3 =	vor.u32 v3, v4  }
0xc1: {  	v4 =	vperm.xlane v3, v0;
	_ =	sdelay $0x1  }
0xc2: {  	v3 =	vperm.xlane v3, v2;
	v4 =	vadd.s32 v1, v4;
	_ =	sdelay $0x1  }
0xc3: {  	v3 =	vadd.s32 v1, v3;
	_ =	sdelay $0x1  }
0xc4: {  	s24 =	rddreg [dreg:$0x15]  }
0xc5: {  	[tilespmem:s24], [sflag:$0x2] =	stream.indirect_vreg.gather [hbm4b:s3+s2], $0x80, v4, vm0, $0xb8;
	[tilespmem:$0x18180] =	vst v63  }
0xc6: {  	s25 =	rddreg [dreg:$0x16]  }
0xc7: {  	[tilespmem:s25], [sflag:$0x2] =	stream.indirect_vreg.gather [hbm4b:s3+s2], $0x80, v3, vm0, $0xb8;
	[tilespmem:$0x18180] =	vst v63  }
0xc8: {  	v3 =	vld [tilespmem:$0xE0];
	_ =	sdelay $0x4  }
0xc9: {  	v46 =	vshll.u32 v3, $0x1  }
0xca: {  	v3 =	vand.u32 $0x7, v3;
	v4 =	vand.u32 $0xFFFFFFF0, v46  }
0xcb: {  	v3 =	vor.u32 v3, v4  }
0xcc: {  	v4 =	vperm.xlane v3, v0;
	_ =	sdelay $0x1  }
0xcd: {  	v3 =	vperm.xlane v3, v2;
	v4 =	vadd.s32 v1, v4;
	_ =	sdelay $0x1  }
0xce: {  	v3 =	vadd.s32 v1, v3;
	_ =	sdelay $0x1  }
0xcf: {  	s24 =	rddreg [dreg:$0x17]  }
0xd0: {  	[tilespmem:s24], [sflag:$0x2] =	stream.indirect_vreg.gather [hbm4b:s3+s2], $0x80, v4, vm0, $0xb8;
	[tilespmem:$0x18180] =	vst v63  }
0xd1: {  	s25 =	rddreg [dreg:$0x18]  }
0xd2: {  	[tilespmem:s25], [sflag:$0x2] =	stream.indirect_vreg.gather [hbm4b:s3+s2], $0x80, v3, vm0, $0xb8;
	[tilespmem:$0x18180] =	vst v63  }
0xd3: {  	v3 =	vld [tilespmem:$0xF0];
	_ =	sdelay $0x4  }
0xd4: {  	v47 =	vshll.u32 v3, $0x1  }
0xd5: {  	v3 =	vand.u32 $0x7, v3;
	v4 =	vand.u32 $0xFFFFFFF0, v47  }
0xd6: {  	v3 =	vor.u32 v3, v4  }
0xd7: {  	v4 =	vperm.xlane v3, v0;
	_ =	sdelay $0x1  }
0xd8: {  	v3 =	vperm.xlane v3, v2;
	v4 =	vadd.s32 v1, v4;
	_ =	sdelay $0x1  }
0xd9: {  	v3 =	vadd.s32 v1, v3  }
0xda: {  	s1 =	rddreg [dreg:$0x1a]  }
0xdb: {  	s24 =	rddreg [dreg:$0x19]  }
0xdc: {  	[tilespmem:s24], [sflag:$0x2] =	stream.indirect_vreg.gather [hbm4b:s3+s2], $0x80, v4, vm0, $0xb8;
	[tilespmem:$0x18180] =	vst v63  }
0xdd: {  	s25 =	rddreg [dreg:$0x1b]  }
0xde: {  	[tilespmem:s1], [sflag:$0x2] =	stream.indirect_vreg.gather [hbm4b:s3+s2], $0x80, v3, vm0, $0xb8;
	[tilespmem:$0x18180] =	vst v63  }
0xdf: {  	s24 =	rddreg [dreg:$0x5]  }
0xe0: {  	[tilespmem:s25], [sflag:$0x7] =	stream.linear.gather [hbm4b:s24+s2], $0x80, $0x38;
	[tilespmem:$0x18180] =	vst v63  }
0xe1: {  	_ =	swait.ge [sflag:s5], $0x80  }
0xe2: {  	[sflag:s5] =	ssyncset.done $0x0  }
0xe3: {  	[sflag:s5] =	ssyncadd.s32 $0xFFFFFF80  }
0xe4: {  	v3 =	vld [tilespmem:$0x100];
	_ =	sdelay $0x4  }
0xe5: {  	v48 =	vshll.u32 v3, $0x1  }
0xe6: {  	v3 =	vand.u32 $0x7, v3;
	v4 =	vand.u32 $0xFFFFFFF0, v48  }
0xe7: {  	v3 =	vor.u32 v3, v4  }
0xe8: {  	v4 =	vperm.xlane v3, v0;
	_ =	sdelay $0x1  }
0xe9: {  	v3 =	vperm.xlane v3, v2;
	v4 =	vadd.s32 v1, v4;
	_ =	sdelay $0x1  }
0xea: {  	v3 =	vadd.s32 v1, v3;
	_ =	sdelay $0x2  }
0xeb: {  	[tilespmem:s23], [sflag:$0x3] =	stream.indirect_vreg.gather [hbm4b:s3+s2], $0x80, v4, vm0, $0xb8;
	[tilespmem:$0x18180] =	vst v63  }
0xec: {  	s25 =	rddreg [dreg:$0x1c]  }
0xed: {  	[tilespmem:s25], [sflag:$0x3] =	stream.indirect_vreg.gather [hbm4b:s3+s2], $0x80, v3, vm0, $0xb8;
	[tilespmem:$0x18180] =	vst v63  }
0xee: {  	v3 =	vld [tilespmem:$0x110];
	_ =	sdelay $0x4  }
0xef: {  	v49 =	vshll.u32 v3, $0x1  }
0xf0: {  	v3 =	vand.u32 $0x7, v3;
	v4 =	vand.u32 $0xFFFFFFF0, v49  }
0xf1: {  	v3 =	vor.u32 v3, v4  }
0xf2: {  	v4 =	vperm.xlane v3, v0;
	_ =	sdelay $0x1  }
0xf3: {  	v3 =	vperm.xlane v3, v2;
	v4 =	vadd.s32 v1, v4;
	_ =	sdelay $0x1  }
0xf4: {  	v3 =	vadd.s32 v1, v3;
	_ =	sdelay $0x1  }
0xf5: {  	s24 =	rddreg [dreg:$0x1d]  }
0xf6: {  	[tilespmem:s24], [sflag:$0x3] =	stream.indirect_vreg.gather [hbm4b:s3+s2], $0x80, v4, vm0, $0xb8;
	[tilespmem:$0x18180] =	vst v63  }
0xf7: {  	s25 =	rddreg [dreg:$0x1e]  }
0xf8: {  	[tilespmem:s25], [sflag:$0x3] =	stream.indirect_vreg.gather [hbm4b:s3+s2], $0x80, v3, vm0, $0xb8;
	[tilespmem:$0x18180] =	vst v63  }
0xf9: {  	v3 =	vld [tilespmem:$0x120];
	_ =	sdelay $0x4  }
0xfa: {  	v50 =	vshll.u32 v3, $0x1  }
0xfb: {  	v3 =	vand.u32 $0x7, v3;
	v4 =	vand.u32 $0xFFFFFFF0, v50  }
0xfc: {  	v3 =	vor.u32 v3, v4  }
0xfd: {  	v4 =	vperm.xlane v3, v0;
	_ =	sdelay $0x1  }
0xfe: {  	v3 =	vperm.xlane v3, v2;
	v4 =	vadd.s32 v1, v4;
	_ =	sdelay $0x1  }
0xff: {  	v3 =	vadd.s32 v1, v3  }
0x100: {  	s24 =	rddreg [dreg:$0x1f]  }
0x101: {  	s25 =	sld [smem:$0x7F5]  }
0x102: {  	[tilespmem:s24], [sflag:$0x3] =	stream.indirect_vreg.gather [hbm4b:s3+s2], $0x80, v4, vm0, $0xb8;
	[tilespmem:$0x18180] =	vst v63  }
0x103: {  	_ = 	snop  }
0x104: {  	[tilespmem:s25], [sflag:$0x3] =	stream.indirect_vreg.gather [hbm4b:s3+s2], $0x80, v3, vm0, $0xb8;
	[tilespmem:$0x18180] =	vst v63  }
0x105: {  	v3 =	vld [tilespmem:$0x130];
	_ =	sdelay $0x4  }
0x106: {  	v51 =	vshll.u32 v3, $0x1  }
0x107: {  	v3 =	vand.u32 $0x7, v3;
	v4 =	vand.u32 $0xFFFFFFF0, v51  }
0x108: {  	v3 =	vor.u32 v3, v4  }
0x109: {  	v4 =	vperm.xlane v3, v0;
	_ =	sdelay $0x1  }
0x10a: {  	v3 =	vperm.xlane v3, v2;
	v4 =	vadd.s32 v1, v4;
	_ =	sdelay $0x1  }
0x10b: {  	s24 =	sld [smem:$0x7F6];
	v3 =	vadd.s32 v1, v3;
	_ =	sdelay $0x1  }
0x10c: {  	s25 =	sld [smem:$0x7F7]  }
0x10d: {  	[tilespmem:s24], [sflag:$0x3] =	stream.indirect_vreg.gather [hbm4b:s3+s2], $0x80, v4, vm0, $0xb8;
	[tilespmem:$0x18180] =	vst v63  }
0x10e: {  	_ = 	snop  }
0x10f: {  	[tilespmem:s25], [sflag:$0x3] =	stream.indirect_vreg.gather [hbm4b:s3+s2], $0x80, v3, vm0, $0xb8;
	[tilespmem:$0x18180] =	vst v63  }
0x110: {  	v3 =	vld [tilespmem:$0x140];
	_ =	sdelay $0x4  }
0x111: {  	v52 =	vshll.u32 v3, $0x1  }
0x112: {  	v3 =	vand.u32 $0x7, v3;
	v4 =	vand.u32 $0xFFFFFFF0, v52  }
0x113: {  	v3 =	vor.u32 v3, v4  }
0x114: {  	v4 =	vperm.xlane v3, v0;
	_ =	sdelay $0x1  }
0x115: {  	v3 =	vperm.xlane v3, v2;
	v4 =	vadd.s32 v1, v4;
	_ =	sdelay $0x1  }
0x116: {  	s24 =	sld [smem:$0x7F8];
	v3 =	vadd.s32 v1, v3;
	_ =	sdelay $0x1  }
0x117: {  	s25 =	sld [smem:$0x7F9]  }
0x118: {  	[tilespmem:s24], [sflag:$0x3] =	stream.indirect_vreg.gather [hbm4b:s3+s2], $0x80, v4, vm0, $0xb8;
	[tilespmem:$0x18180] =	vst v63  }
0x119: {  	_ = 	snop  }
0x11a: {  	[tilespmem:s25], [sflag:$0x3] =	stream.indirect_vreg.gather [hbm4b:s3+s2], $0x80, v3, vm0, $0xb8;
	[tilespmem:$0x18180] =	vst v63  }
0x11b: {  	v3 =	vld [tilespmem:$0x150];
	_ =	sdelay $0x4  }
0x11c: {  	v53 =	vshll.u32 v3, $0x1  }
0x11d: {  	v3 =	vand.u32 $0x7, v3;
	v4 =	vand.u32 $0xFFFFFFF0, v53  }
0x11e: {  	v3 =	vor.u32 v3, v4  }
0x11f: {  	v4 =	vperm.xlane v3, v0;
	_ =	sdelay $0x1  }
0x120: {  	v3 =	vperm.xlane v3, v2;
	v4 =	vadd.s32 v1, v4;
	_ =	sdelay $0x1  }
0x121: {  	s24 =	sld [smem:$0x7FA];
	v3 =	vadd.s32 v1, v3;
	_ =	sdelay $0x1  }
0x122: {  	s25 =	sld [smem:$0x7FB]  }
0x123: {  	[tilespmem:s24], [sflag:$0x3] =	stream.indirect_vreg.gather [hbm4b:s3+s2], $0x80, v4, vm0, $0xb8;
	[tilespmem:$0x18180] =	vst v63  }
0x124: {  	_ = 	snop  }
0x125: {  	[tilespmem:s25], [sflag:$0x3] =	stream.indirect_vreg.gather [hbm4b:s3+s2], $0x80, v3, vm0, $0xb8;
	[tilespmem:$0x18180] =	vst v63  }
0x126: {  	v3 =	vld [tilespmem:$0x160];
	_ =	sdelay $0x4  }
0x127: {  	v54 =	vshll.u32 v3, $0x1  }
0x128: {  	v3 =	vand.u32 $0x7, v3;
	v4 =	vand.u32 $0xFFFFFFF0, v54  }
0x129: {  	v3 =	vor.u32 v3, v4  }
0x12a: {  	v4 =	vperm.xlane v3, v0;
	_ =	sdelay $0x1  }
0x12b: {  	v3 =	vperm.xlane v3, v2;
	v4 =	vadd.s32 v1, v4;
	_ =	sdelay $0x1  }
0x12c: {  	s24 =	sld [smem:$0x7FC];
	v3 =	vadd.s32 v1, v3;
	_ =	sdelay $0x1  }
0x12d: {  	s25 =	sld [smem:$0x7FD]  }
0x12e: {  	[tilespmem:s24], [sflag:$0x3] =	stream.indirect_vreg.gather [hbm4b:s3+s2], $0x80, v4, vm0, $0xb8;
	[tilespmem:$0x18180] =	vst v63  }
0x12f: {  	_ = 	snop  }
0x130: {  	[tilespmem:s25], [sflag:$0x3] =	stream.indirect_vreg.gather [hbm4b:s3+s2], $0x80, v3, vm0, $0xb8;
	[tilespmem:$0x18180] =	vst v63  }
0x131: {  	v3 =	vld [tilespmem:$0x170];
	_ =	sdelay $0x4  }
0x132: {  	v55 =	vshll.u32 v3, $0x1  }
0x133: {  	v3 =	vand.u32 $0x7, v3;
	v4 =	vand.u32 $0xFFFFFFF0, v55  }
0x134: {  	v3 =	vor.u32 v3, v4  }
0x135: {  	v4 =	vperm.xlane v3, v0;
	_ =	sdelay $0x1  }
0x136: {  	v3 =	vperm.xlane v3, v2;
	v4 =	vadd.s32 v1, v4;
	_ =	sdelay $0x1  }
0x137: {  	v3 =	vadd.s32 v1, v3;
	_ =	sdelay $0x1  }
0x138: {  	s25 =	simm.s32 $0x17180  }
0x139: {  	[tilespmem:s25], [sflag:$0x3] =	stream.indirect_vreg.gather [hbm4b:s3+s2], $0x80, v4, vm0, $0xb8;
	[tilespmem:$0x18180] =	vst v63  }
0x13a: {  	s24 =	simm.s32 $0x17980  }
0x13b: {  	[tilespmem:s24], [sflag:$0x3] =	stream.indirect_vreg.gather [hbm4b:s3+s2], $0x80, v3, vm0, $0xb8;
	[tilespmem:$0x18180] =	vst v63  }
0x13c: {  	_ =	swait.ge [sflag:s26], $0x8000  }
0x13d: {  	[sflag:s26] =	ssyncset.done $0x0  }
0x13e: {  	s25 =	rddreg [dreg:$0x6];
	[sflag:s26] =	ssyncadd.s32 $0xFFFF8000  }
0x13f: {  	[hbm4b:s25+s2] =	stream.linear.scatter [tilespmem:s6], [sflag:$0x4], $0x8000, $0x38;
	[tilespmem:$0x18180] =	vst v63  }
0x140: {  	_ =	swait.ge [sflag:s28], $0x8000  }
0x141: {  	[sflag:s28] =	ssyncset.done $0x0  }
0x142: {  	s24 =	rddreg [dreg:$0x7];
	[sflag:s28] =	ssyncadd.s32 $0xFFFF8000  }
0x143: {  	[tilespmem:s2], [sflag:$0x7] =	stream.linear.gather [hbm4b:s24+s2], $0x80, $0x38;
	[tilespmem:$0x18180] =	vst v63  }
0x144: {  	_ =	swait.ge [sflag:s5], $0x80  }
0x145: {  	[sflag:s5] =	ssyncset.done $0x0  }
0x146: {  	[sflag:s5] =	ssyncadd.s32 $0xFFFFFF80  }
0x147: {  	v3 =	vld [tilespmem:$0x0];
	_ =	sdelay $0x4  }
0x148: {  	v56 =	vshll.u32 v3, $0x1  }
0x149: {  	v3 =	vand.u32 $0x7, v3;
	v4 =	vand.u32 $0xFFFFFFF0, v56  }
0x14a: {  	v3 =	vor.u32 v3, v4  }
0x14b: {  	v4 =	vperm.xlane v3, v0;
	_ =	sdelay $0x1  }
0x14c: {  	v3 =	vperm.xlane v3, v2;
	v4 =	vadd.s32 v1, v4;
	_ =	sdelay $0x1  }
0x14d: {  	v3 =	vadd.s32 v1, v3;
	_ =	sdelay $0x2  }
0x14e: {  	[tilespmem:s6], [sflag:$0x1] =	stream.indirect_vreg.gather [hbm4b:s3+s2], $0x80, v4, vm0, $0xb8;
	[tilespmem:$0x18180] =	vst v63  }
0x14f: {  	_ = 	snop  }
0x150: {  	[tilespmem:s7], [sflag:$0x1] =	stream.indirect_vreg.gather [hbm4b:s3+s2], $0x80, v3, vm0, $0xb8;
	[tilespmem:$0x18180] =	vst v63  }
0x151: {  	v3 =	vld [tilespmem:$0x10];
	_ =	sdelay $0x4  }
0x152: {  	v57 =	vshll.u32 v3, $0x1  }
0x153: {  	v3 =	vand.u32 $0x7, v3;
	v4 =	vand.u32 $0xFFFFFFF0, v57  }
0x154: {  	v3 =	vor.u32 v3, v4  }
0x155: {  	v4 =	vperm.xlane v3, v0;
	_ =	sdelay $0x1  }
0x156: {  	v3 =	vperm.xlane v3, v2;
	v4 =	vadd.s32 v1, v4;
	_ =	sdelay $0x1  }
0x157: {  	v3 =	vadd.s32 v1, v3;
	_ =	sdelay $0x2  }
0x158: {  	[tilespmem:s8], [sflag:$0x1] =	stream.indirect_vreg.gather [hbm4b:s3+s2], $0x80, v4, vm0, $0xb8;
	[tilespmem:$0x18180] =	vst v63  }
0x159: {  	_ = 	snop  }
0x15a: {  	[tilespmem:s9], [sflag:$0x1] =	stream.indirect_vreg.gather [hbm4b:s3+s2], $0x80, v3, vm0, $0xb8;
	[tilespmem:$0x18180] =	vst v63  }
0x15b: {  	v3 =	vld [tilespmem:$0x20];
	_ =	sdelay $0x4  }
0x15c: {  	v58 =	vshll.u32 v3, $0x1  }
0x15d: {  	v3 =	vand.u32 $0x7, v3;
	v4 =	vand.u32 $0xFFFFFFF0, v58  }
0x15e: {  	v3 =	vor.u32 v3, v4  }
0x15f: {  	v4 =	vperm.xlane v3, v0;
	_ =	sdelay $0x1  }
0x160: {  	v3 =	vperm.xlane v3, v2;
	v4 =	vadd.s32 v1, v4;
	_ =	sdelay $0x1  }
0x161: {  	v3 =	vadd.s32 v1, v3;
	_ =	sdelay $0x2  }
0x162: {  	[tilespmem:s10], [sflag:$0x1] =	stream.indirect_vreg.gather [hbm4b:s3+s2], $0x80, v4, vm0, $0xb8;
	[tilespmem:$0x18180] =	vst v63  }
0x163: {  	_ = 	snop  }
0x164: {  	[tilespmem:s11], [sflag:$0x1] =	stream.indirect_vreg.gather [hbm4b:s3+s2], $0x80, v3, vm0, $0xb8;
	[tilespmem:$0x18180] =	vst v63  }
0x165: {  	v3 =	vld [tilespmem:$0x30];
	_ =	sdelay $0x4  }
0x166: {  	v59 =	vshll.u32 v3, $0x1  }
0x167: {  	v3 =	vand.u32 $0x7, v3;
	v4 =	vand.u32 $0xFFFFFFF0, v59  }
0x168: {  	v3 =	vor.u32 v3, v4  }
0x169: {  	v4 =	vperm.xlane v3, v0;
	_ =	sdelay $0x1  }
0x16a: {  	v3 =	vperm.xlane v3, v2;
	v4 =	vadd.s32 v1, v4;
	_ =	sdelay $0x1  }
0x16b: {  	v3 =	vadd.s32 v1, v3;
	_ =	sdelay $0x2  }
0x16c: {  	[tilespmem:s12], [sflag:$0x1] =	stream.indirect_vreg.gather [hbm4b:s3+s2], $0x80, v4, vm0, $0xb8;
	[tilespmem:$0x18180] =	vst v63  }
0x16d: {  	_ = 	snop  }
0x16e: {  	[tilespmem:s13], [sflag:$0x1] =	stream.indirect_vreg.gather [hbm4b:s3+s2], $0x80, v3, vm0, $0xb8;
	[tilespmem:$0x18180] =	vst v63  }
0x16f: {  	v3 =	vld [tilespmem:$0x40];
	_ =	sdelay $0x4  }
0x170: {  	v60 =	vshll.u32 v3, $0x1  }
0x171: {  	v3 =	vand.u32 $0x7, v3;
	v4 =	vand.u32 $0xFFFFFFF0, v60  }
0x172: {  	v3 =	vor.u32 v3, v4  }
0x173: {  	v4 =	vperm.xlane v3, v0;
	_ =	sdelay $0x1  }
0x174: {  	v3 =	vperm.xlane v3, v2;
	v4 =	vadd.s32 v1, v4;
	_ =	sdelay $0x1  }
0x175: {  	v3 =	vadd.s32 v1, v3;
	_ =	sdelay $0x2  }
0x176: {  	[tilespmem:s14], [sflag:$0x1] =	stream.indirect_vreg.gather [hbm4b:s3+s2], $0x80, v4, vm0, $0xb8;
	[tilespmem:$0x18180] =	vst v63  }
0x177: {  	_ = 	snop  }
0x178: {  	[tilespmem:s15], [sflag:$0x1] =	stream.indirect_vreg.gather [hbm4b:s3+s2], $0x80, v3, vm0, $0xb8;
	[tilespmem:$0x18180] =	vst v63  }
0x179: {  	v3 =	vld [tilespmem:$0x50];
	_ =	sdelay $0x4  }
0x17a: {  	v61 =	vshll.u32 v3, $0x1  }
0x17b: {  	v3 =	vand.u32 $0x7, v3;
	v4 =	vand.u32 $0xFFFFFFF0, v61  }
0x17c: {  	v3 =	vor.u32 v3, v4  }
0x17d: {  	v4 =	vperm.xlane v3, v0;
	_ =	sdelay $0x1  }
0x17e: {  	v3 =	vperm.xlane v3, v2;
	v4 =	vadd.s32 v1, v4;
	_ =	sdelay $0x1  }
0x17f: {  	v3 =	vadd.s32 v1, v3;
	_ =	sdelay $0x2  }
0x180: {  	[tilespmem:s16], [sflag:$0x1] =	stream.indirect_vreg.gather [hbm4b:s3+s2], $0x80, v4, vm0, $0xb8;
	[tilespmem:$0x18180] =	vst v63  }
0x181: {  	_ = 	snop  }
0x182: {  	[tilespmem:s17], [sflag:$0x1] =	stream.indirect_vreg.gather [hbm4b:s3+s2], $0x80, v3, vm0, $0xb8;
	[tilespmem:$0x18180] =	vst v63  }
0x183: {  	v3 =	vld [tilespmem:$0x60];
	_ =	sdelay $0x4  }
0x184: {  	v62 =	vshll.u32 v3, $0x1  }
0x185: {  	v3 =	vand.u32 $0x7, v3;
	v4 =	vand.u32 $0xFFFFFFF0, v62  }
0x186: {  	v3 =	vor.u32 v3, v4  }
0x187: {  	v4 =	vperm.xlane v3, v0;
	_ =	sdelay $0x1  }
0x188: {  	v3 =	vperm.xlane v3, v2;
	v4 =	vadd.s32 v1, v4;
	_ =	sdelay $0x1  }
0x189: {  	v3 =	vadd.s32 v1, v3;
	_ =	sdelay $0x2  }
0x18a: {  	[tilespmem:s18], [sflag:$0x1] =	stream.indirect_vreg.gather [hbm4b:s3+s2], $0x80, v4, vm0, $0xb8;
	[tilespmem:$0x18180] =	vst v63  }
0x18b: {  	_ = 	snop  }
0x18c: {  	[tilespmem:s19], [sflag:$0x1] =	stream.indirect_vreg.gather [hbm4b:s3+s2], $0x80, v3, vm0, $0xb8;
	[tilespmem:$0x18180] =	vst v63  }
0x18d: {  	v3 =	vld [tilespmem:$0x70];
	_ =	sdelay $0x4  }
0x18e: {  	v63 =	vshll.u32 v3, $0x1  }
0x18f: {  	v3 =	vand.u32 $0x7, v3;
	v4 =	vand.u32 $0xFFFFFFF0, v63  }
0x190: {  	v3 =	vor.u32 v3, v4  }
0x191: {  	v4 =	vperm.xlane v3, v0;
	_ =	sdelay $0x1  }
0x192: {  	v3 =	vperm.xlane v3, v2;
	v4 =	vadd.s32 v1, v4;
	_ =	sdelay $0x1  }
0x193: {  	v3 =	vadd.s32 v1, v3;
	_ =	sdelay $0x2  }
0x194: {  	[tilespmem:s20], [sflag:$0x1] =	stream.indirect_vreg.gather [hbm4b:s3+s2], $0x80, v4, vm0, $0xb8;
	[tilespmem:$0x18180] =	vst v63  }
0x195: {  	_ = 	snop  }
0x196: {  	[tilespmem:s21], [sflag:$0x1] =	stream.indirect_vreg.gather [hbm4b:s3+s2], $0x80, v3, vm0, $0xb8;
	[tilespmem:$0x18180] =	vst v63  }
0x197: {  	_ =	swait.ge [sflag:s29], $0x8000  }
0x198: {  	[sflag:s29] =	ssyncset.done $0x0  }
0x199: {  	s25 =	rddreg [dreg:$0x8];
	[sflag:s29] =	ssyncadd.s32 $0xFFFF8000  }
0x19a: {  	[hbm4b:s25+s2] =	stream.linear.scatter [tilespmem:s22], [sflag:$0x5], $0x8000, $0x38;
	[tilespmem:$0x18180] =	vst v63  }
0x19b: {  	_ =	swait.ge [sflag:s30], $0x8000  }
0x19c: {  	[sflag:s30] =	ssyncset.done $0x0  }
0x19d: {  	s24 =	rddreg [dreg:$0x9];
	[sflag:s30] =	ssyncadd.s32 $0xFFFF8000  }
0x19e: {  	[hbm4b:s24+s2] =	stream.linear.scatter [tilespmem:s23], [sflag:$0x6], $0x8000, $0x38;
	[tilespmem:$0x18180] =	vst v63  }
0x19f: {  	_ =	swait.ge [sflag:s26], $0x8000  }
0x1a0: {  	[sflag:s26] =	ssyncset.done $0x0  }
0x1a1: {  	s25 =	rddreg [dreg:$0xa];
	[sflag:s26] =	ssyncadd.s32 $0xFFFF8000  }
0x1a2: {  	[hbm4b:s25+s2] =	stream.linear.scatter [tilespmem:s6], [sflag:$0x4], $0x8000, $0x38;
	[tilespmem:$0x18180] =	vst v63  }
0x1a3: {  	_ =	swait.ge [sflag:s31], $0x8000  }
0x1a4: {  	[sflag:s31] =	ssyncset.done $0x0  }
0x1a5: {  	[sflag:s31] =	ssyncadd.s32 $0xFFFF8000  }
0x1a6: {  	p0 =	sne.s32 s4, $0x1;
	_ =	swait.ge [sflag:s0], $0x8000  }
.Ltmp0:
0x1a7: {  	[sflag:s0] =	ssyncset.done $0x0;
	(pc) =	sbr.rel @p0 .LBB2_1-.Ltmp0, $4  }
0x1a8: {  	[sflag:s0] =	ssyncadd.s32 $0xFFFF8000  }
0x1a9: {  	_ =	swait.ge [sflag:s28], $0x8000  }
0x1aa: {  	[sflag:s28] =	ssyncset.done $0x0  }
0x1ab: {  	s4 =	sadd.s32 $0xFFFFFFFF, s4;
	[sflag:s28] =	ssyncadd.s32 $0xFFFF8000  }
0x1ac: {  	_ =	sfence.sel $0x180000  }
0x1ad: {  	[bflag:$0x0] =	sbarrier.arrive $0xFFFF  }
0x1ae: {  	_ =	strace $0x90000047  }
0x1af: {  	s0 =	stileid.u32;
	[bflag:$0x2] =	sbarrier.arrive $0xFFFF  }
0x1b0: {  	p0 =	sne.s32 s0, $0x0;
	s0 =	rddreg [dreg:$0x2]  }
0x1b1: {  	s0 =	sadd.s32 @!p0 $0x100000, s0  }
0x1b2: {  	[sflag:s0] =	ssyncadd.tile.s32 @!p0 $0x1;
	_ =	shalt  }
.Lfunc_end2:
_tile_overlayer_lowered:
.L_overlay_start_2:
0x1b3: {  	(tag) =	ssettag $0x2  }
0x1b4: {  	s0 =	rddreg [dreg:$0x0];
	s2 =	stileid.u32  }
0x1b5: {  	s1 =	rddreg [dreg:$0x1];
	p0 =	sne.s32 s2, $0x0  }
0x1b6: {  	s3 =	rddreg [dreg:$0x2];
	[bflag:$0x3] =	sbarrier.arrive $0xFFFF;
	s2 =	simm.s32 @!p0 $0x1C07  }
0x1b7: {  	[timem:s3], [sflag:s2] =	dma.local @!p0 [hbm:s0], s1  }
0x1b8: {  	s0 =	simm.s32 @!p0 $0x7  }
0x1b9: {  	_ =	swait.ge @!p0 [sflag:s0], s1  }
0x1ba: {  	s1 =	ssub.s32 @!p0 $0x0, s1;
	[sflag:s0] =	ssyncset.done @!p0 $0x0  }
0x1bb: {  	[sflag:s0] =	ssyncadd.s32 @!p0 s1  }
0x1bc: {  	[bflag:$0x3] =	sbarrier.arrive $0xFFFF  }
0x1bd: {  	_ =	shalt  }

</sc_bundles>
